<compile_context>
chip_gen: v7x
topology: tpu7x:2x2x1
jax: 0.10.2.dev20260603
libtpu: 0.0.44.dev20260713+nightly
codegen_flags: <defaults>
</compile_context>

<pallas_src>
import functools

import jax
import jax.numpy as jnp
from jax import lax
from jax.experimental import pallas as pl
from jax.experimental.pallas import tpu as pltpu
from jax.experimental.pallas import tpu_sc as plsc

NS = 16
L = 16
PTS_PER_W = 100
SLOTS = 112
CHUNKS = SLOTS // L
BOX_F32 = PTS_PER_W * 6
ROWS_PER_MAP = 32768
C1_ROW_DELTA = 1024
MAX_ROW0 = ROWS_PER_MAP - 1 - C1_ROW_DELTA

SIZE_W = 0.1
OFFSET_W = 1.0
INV_N = 1.0 / 3200.0


def _box_comp(boxes_v, s_vec, comp):
    idx = jnp.minimum(s_vec * 6 + comp, BOX_F32 - 1)
    return plsc.load_gather(boxes_v, [idx])


def _body(sizes_hbm, offs_hbm, boxes_hbm, out_hbm,
          boxes_v, idx_v, rows_s, rows_o, accv, blk, outv, shared,
          sem, sem2):
    w = lax.axis_index("s")

    pltpu.sync_copy(boxes_hbm.at[w], boxes_v)

    lanes = []
    for k in range(CHUNKS):
        s_vec = lax.iota(jnp.int32, L) + (k * L)
        x = _box_comp(boxes_v, s_vec, 0)
        y = _box_comp(boxes_v, s_vec, 1)
        ix = (x * 128.0).astype(jnp.int32)
        iy = (y * 128.0).astype(jnp.int32)
        base = w * 32768 + ix * 128 + iy
        row0 = jnp.minimum(base >> 4, MAX_ROW0)
        idx_v[pl.ds(k * L, L)] = row0
        idx_v[pl.ds(SLOTS + k * L, L)] = row0 + C1_ROW_DELTA
        lanes.append(iy & (L - 1))

    cp_s = pltpu.async_copy(sizes_hbm.at[idx_v], rows_s, sem)
    cp_o = pltpu.async_copy(offs_hbm.at[idx_v], rows_o, sem2)

    tws, ths = [], []
    for k in range(CHUNKS):
        s_vec = lax.iota(jnp.int32, L) + (k * L)
        tws.append(_box_comp(boxes_v, s_vec, 2))
        ths.append(_box_comp(boxes_v, s_vec, 3))

    acc = jnp.zeros((L,), jnp.float32)
    cp_s.wait()
    for k in range(CHUNKS):
        s_vec = lax.iota(jnp.int32, L) + (k * L)
        valid = s_vec < PTS_PER_W
        ps0 = plsc.load_gather(rows_s, [s_vec, lanes[k]])
        ps1 = plsc.load_gather(rows_s, [s_vec + SLOTS, lanes[k]])
        contrib = SIZE_W * (jnp.abs(ps0 - tws[k]) + jnp.abs(ps1 - ths[k]))
        acc = acc + jnp.where(valid, contrib, 0.0)

    toxs, toys = [], []
    for k in range(CHUNKS):
        s_vec = lax.iota(jnp.int32, L) + (k * L)
        toxs.append(_box_comp(boxes_v, s_vec, 4))
        toys.append(_box_comp(boxes_v, s_vec, 5))
    cp_o.wait()
    for k in range(CHUNKS):
        s_vec = lax.iota(jnp.int32, L) + (k * L)
        valid = s_vec < PTS_PER_W
        po0 = plsc.load_gather(rows_o, [s_vec, lanes[k]])
        po1 = plsc.load_gather(rows_o, [s_vec + SLOTS, lanes[k]])
        contrib = OFFSET_W * (jnp.abs(po0 - toxs[k]) + jnp.abs(po1 - toys[k]))
        acc = acc + jnp.where(valid, contrib, 0.0)

    accv[...] = acc
    pltpu.sync_copy(accv, shared.at[w])
    plsc.subcore_barrier()

    @pl.when(w == 0)
    def _():
        pltpu.sync_copy(shared, blk)
        tot = blk[0, :]
        for r in range(1, NS):
            tot = tot + blk[r, :]
        fin = jnp.full((L,), jnp.sum(tot) * INV_N, jnp.float32)
        lane0 = lax.iota(jnp.int32, L) == 0
        plsc.store_scatter(outv, [jnp.zeros((L,), jnp.int32)], fin, mask=lane0)
        pltpu.sync_copy(outv, out_hbm)


@functools.partial(
    pl.kernel,
    out_type=jax.ShapeDtypeStruct((1,), jnp.float32),
    mesh=plsc.VectorSubcoreMesh(core_axis_name="c", subcore_axis_name="s",
                                num_cores=1, num_subcores=NS),
    compiler_params=pltpu.CompilerParams(use_tc_tiling_on_sc=False,
                                         needs_layout_passes=False,
                                         disable_bounds_checks=True,
                                         disable_semaphore_checks=True,
                                         skip_device_barrier=True),
    scratch_types=[
        pltpu.VMEM((BOX_F32,), jnp.float32),
        pltpu.VMEM((2 * SLOTS,), jnp.int32),
        pltpu.VMEM((2 * SLOTS, L), jnp.float32),
        pltpu.VMEM((2 * SLOTS, L), jnp.float32),
        pltpu.VMEM((L,), jnp.float32),
        pltpu.VMEM((NS, L), jnp.float32),
        pltpu.VMEM((1,), jnp.float32),
        pltpu.VMEM_SHARED((NS, L), jnp.float32),
        pltpu.SemaphoreType.DMA,
        pltpu.SemaphoreType.DMA,
    ],
)
def _sparse_l1_sc(*args):
    _body(*args)


@jax.jit
def kernel(predicted_sizes, predicted_offsets, target_boxes):
    sizes2d = predicted_sizes.reshape(ROWS_PER_MAP, L)
    offs2d = predicted_offsets.reshape(ROWS_PER_MAP, L)
    boxes2d = target_boxes.reshape(NS, BOX_F32)
    out = _sparse_l1_sc(sizes2d, offs2d, boxes2d)
    return out.reshape(())

# --- scband reference (transcript-rebuilt; emitter-appended) ---
"""Pipeline reference for scband-sparse-l1-loss-88553635709513 (READ-ONLY COPY).

The authoritative reference and input builder live on the scoring server;
editing this copy changes nothing except your own understanding.
"""

import jax, jax.numpy as jnp
import numpy as np

SIZE_WEIGHT = 0.1
OFFSET_WEIGHT = 1.0


def setup_inputs(seed: int = 0) -> dict:
    key = jax.random.key(seed)
    k1, k2, k3 = jax.random.split(key, 3)
    predicted_sizes = jax.random.normal(k1, (16, 2, 128, 128), dtype=jnp.float32)
    predicted_offsets = jax.random.normal(k2, (16, 2, 128, 128), dtype=jnp.float32)
    # boxes: [center_x, center_y, width, height, offset_x, offset_y], all normalized in [0, 1)
    target_boxes = jax.random.uniform(k3, (16, 100, 6), dtype=jnp.float32)
    return {
        "predicted_sizes": predicted_sizes,
        "predicted_offsets": predicted_offsets,
        "target_boxes": target_boxes,
    }


def _sparse_l1(predictions, targets, points_idx, batch_index):
    # gather dense feature map at sparse point locations: [N, C]
    preds_at_points = predictions[batch_index, :, points_idx[:, 0], points_idx[:, 1]]
    return jnp.mean(jnp.abs(preds_at_points - targets))


def reference(predicted_sizes, predicted_offsets, target_boxes):
    B, C, H, W = predicted_sizes.shape
    P = target_boxes.shape[1]
    boxes = target_boxes.reshape(B * P, 6)
    points = boxes[:, :2]
    sizes = boxes[:, 2:4]
    offsets = boxes[:, 4:6]
    # predictions.shape[2:][::-1] == (W, H)
    scale = jnp.array([W, H], dtype=points.dtype)
    points_idx = (jax.lax.stop_gradient(points) * scale).astype(jnp.int32)
    batch_index = jnp.repeat(jnp.arange(B), P)
    size_loss = _sparse_l1(predicted_sizes, sizes, points_idx, batch_index)
    offset_loss = _sparse_l1(predicted_offsets, offsets, points_idx, batch_index)
    return SIZE_WEIGHT * size_loss + OFFSET_WEIGHT * offset_loss

if __name__ == "__main__":
    import jax
    _d = setup_inputs()
    print(jax.jit(kernel)(*tuple(_d.values())))

</pallas_src>

<mosaic_0001>
#map = affine_map<(d0, d1) -> (0, 0)>
#map1 = affine_map<(d0, d1) -> (0)>
module attributes {stable_mosaic.version = 14 : i64} {
  func.func @_sparse_l1_sc(%arg0: i32, %arg1: i32, %arg2: memref<32768x16xf32, #tpu.memory_space<hbm>>, %arg3: memref<32768x16xf32, #tpu.memory_space<hbm>>, %arg4: memref<16x600xf32, #tpu.memory_space<hbm>>, %arg5: memref<1xf32, #tpu.memory_space<hbm>>, %arg6: memref<600xf32, #tpu.memory_space<vmem>>, %arg7: memref<224xi32, #tpu.memory_space<vmem>>, %arg8: memref<224x16xf32, #tpu.memory_space<vmem>>, %arg9: memref<224x16xf32, #tpu.memory_space<vmem>>, %arg10: memref<16xf32, #tpu.memory_space<vmem>>, %arg11: memref<16x16xf32, #tpu.memory_space<vmem>>, %arg12: memref<1xf32, #tpu.memory_space<vmem>>, %arg13: memref<16x16xf32, #tpu.memory_space<vmem_shared>>, %arg14: memref<!tpu.dma_semaphore, #tpu.memory_space<semaphore_mem>>, %arg15: memref<!tpu.dma_semaphore, #tpu.memory_space<semaphore_mem>>) attributes {dimension_semantics = [#tpu.dimension_semantics<core_parallel>, #tpu.dimension_semantics<subcore_parallel>], iteration_bounds = array<i64: 1, 16>, scalar_prefetch = 0 : i64, scratch_operands = 10 : i64, tpu.core_type = #tpu.core_type<sc_vector_subcore>, window_params = [{transform_indices = #map}, {transform_indices = #map}, {transform_indices = #map}, {transform_indices = #map1}]} {
    "tpu.region"() ({
      %run_scoped3A = tpu.sem_alloc : memref<!tpu.dma_semaphore, #tpu.memory_space<semaphore_mem>>
      %dma_start3A_1066 = arith.constant 0 : i32
      %dma_start3A_1067 = tpu.memref_slice %arg4[%arg1, %dma_start3A_1066] : memref<16x600xf32, #tpu.memory_space<hbm>> -> memref<1x600xf32, #tpu.memory_space<hbm>>
      %dma_start3A_1068 = tpu.memref_squeeze %dma_start3A_1067 : memref<1x600xf32, #tpu.memory_space<hbm>> -> memref<600xf32, #tpu.memory_space<hbm>>
      %dma_start3A_1069 = arith.constant 0 : i32
      %dma_start3A_1070 = tpu.memref_slice %arg4[%arg1, %dma_start3A_1069] : memref<16x600xf32, #tpu.memory_space<hbm>> -> memref<1x600xf32, #tpu.memory_space<hbm>>
      %dma_start3A_1071 = tpu.memref_squeeze %dma_start3A_1070 : memref<1x600xf32, #tpu.memory_space<hbm>> -> memref<600xf32, #tpu.memory_space<hbm>>
      tpu.enqueue_dma source(%dma_start3A_1071 : memref<600xf32, #tpu.memory_space<hbm>>) target(%arg6 : memref<600xf32, #tpu.memory_space<vmem>>) target_semaphore(%run_scoped3A : memref<!tpu.dma_semaphore, #tpu.memory_space<semaphore_mem>>)
      %dma_wait3A_1072 = arith.constant 0 : i32
      %dma_wait3A_1073 = tpu.memref_slice %arg4[%arg1, %dma_wait3A_1072] : memref<16x600xf32, #tpu.memory_space<hbm>> -> memref<1x600xf32, #tpu.memory_space<hbm>>
      %dma_wait3A_1074 = tpu.memref_squeeze %dma_wait3A_1073 : memref<1x600xf32, #tpu.memory_space<hbm>> -> memref<600xf32, #tpu.memory_space<hbm>>
      %dma_wait3A_1075 = arith.constant 0 : i32
      %dma_wait3A_1076 = tpu.memref_slice %arg4[%arg1, %dma_wait3A_1075] : memref<16x600xf32, #tpu.memory_space<hbm>> -> memref<1x600xf32, #tpu.memory_space<hbm>>
      %dma_wait3A_1077 = tpu.memref_squeeze %dma_wait3A_1076 : memref<1x600xf32, #tpu.memory_space<hbm>> -> memref<600xf32, #tpu.memory_space<hbm>>
      tpu.wait_dma2 semaphore(%run_scoped3A : memref<!tpu.dma_semaphore, #tpu.memory_space<semaphore_mem>>) src(%dma_wait3A_1077 : memref<600xf32, #tpu.memory_space<hbm>>) dst(%arg6 : memref<600xf32, #tpu.memory_space<vmem>>)
      tpu.yield
    }) : () -> ()
    %iota3A = tpu.iota {dimensions = array<i32: 0>} : vector<16xi32>
    %add3A = arith.constant 0 : i32
    %add3A_0 = vector.broadcast %add3A : i32 to vector<16xi32>
    %add3A_1 = arith.addi %iota3A, %add3A_0 : vector<16xi32>
    %mul3A = arith.constant 6 : i32
    %mul3A_2 = vector.broadcast %mul3A : i32 to vector<16xi32>
    %mul3A_3 = arith.muli %add3A_1, %mul3A_2 : vector<16xi32>
    %add3A_4 = arith.constant 0 : i32
    %add3A_5 = vector.broadcast %add3A_4 : i32 to vector<16xi32>
    %add3A_6 = arith.addi %mul3A_3, %add3A_5 : vector<16xi32>
    %min3A = arith.constant 599 : i32
    %min3A_7 = vector.broadcast %min3A : i32 to vector<16xi32>
    %min3A_8 = arith.minsi %add3A_6, %min3A_7 : vector<16xi32>
    %gather3A = tpu.vector_load_idx %arg6[%min3A_8] : memref<600xf32, #tpu.memory_space<vmem>>[vector<16xi32>], vector<16xf32>,
    %mul3A_9 = arith.constant 6 : i32
    %mul3A_10 = vector.broadcast %mul3A_9 : i32 to vector<16xi32>
    %mul3A_11 = arith.muli %add3A_1, %mul3A_10 : vector<16xi32>
    %add3A_12 = arith.constant 1 : i32
    %add3A_13 = vector.broadcast %add3A_12 : i32 to vector<16xi32>
    %add3A_14 = arith.addi %mul3A_11, %add3A_13 : vector<16xi32>
    %min3A_15 = arith.constant 599 : i32
    %min3A_16 = vector.broadcast %min3A_15 : i32 to vector<16xi32>
    %min3A_17 = arith.minsi %add3A_14, %min3A_16 : vector<16xi32>
    %gather3A_18 = tpu.vector_load_idx %arg6[%min3A_17] : memref<600xf32, #tpu.memory_space<vmem>>[vector<16xi32>], vector<16xf32>,
    %mul3A_19 = arith.constant 1.280000e+02 : f32
    %mul3A_20 = vector.broadcast %mul3A_19 : f32 to vector<16xf32>
    %mul3A_21 = arith.mulf %gather3A, %mul3A_20 : vector<16xf32>
    %convert_element_type3A = arith.fptosi %mul3A_21 : vector<16xf32> to vector<16xi32>
    %mul3A_22 = arith.constant 1.280000e+02 : f32
    %mul3A_23 = vector.broadcast %mul3A_22 : f32 to vector<16xf32>
    %mul3A_24 = arith.mulf %gather3A_18, %mul3A_23 : vector<16xf32>
    %convert_element_type3A_25 = arith.fptosi %mul3A_24 : vector<16xf32> to vector<16xi32>
    %mul3A_26 = arith.constant 32768 : i32
    %mul3A_27 = arith.muli %arg1, %mul3A_26 : i32
    %mul3A_28 = arith.constant 128 : i32
    %mul3A_29 = vector.broadcast %mul3A_28 : i32 to vector<16xi32>
    %mul3A_30 = arith.muli %convert_element_type3A, %mul3A_29 : vector<16xi32>
    %add3A_31 = vector.broadcast %mul3A_27 : i32 to vector<16xi32>
    %add3A_32 = arith.addi %add3A_31, %mul3A_30 : vector<16xi32>
    %add3A_33 = arith.addi %add3A_32, %convert_element_type3A_25 : vector<16xi32>
    %shift_right_arithmetic3A = arith.constant 4 : i32
    %shift_right_arithmetic3A_34 = vector.broadcast %shift_right_arithmetic3A : i32 to vector<16xi32>
    %shift_right_arithmetic3A_35 = arith.shrsi %add3A_33, %shift_right_arithmetic3A_34 : vector<16xi32>
    %min3A_36 = arith.constant 31743 : i32
    %min3A_37 = vector.broadcast %min3A_36 : i32 to vector<16xi32>
    %min3A_38 = arith.minsi %shift_right_arithmetic3A_35, %min3A_37 : vector<16xi32>
    %swap3A = arith.constant 0 : index
    %swap3A_39 = tpu.vector_load %arg7[%swap3A] {strides = array<i32>} : memref<224xi32, #tpu.memory_space<vmem>>, vector<16xi32>,
    tpu.vector_store %arg7[%swap3A], %min3A_38 {strides = array<i32>} : memref<224xi32, #tpu.memory_space<vmem>>, vector<16xi32>,
    %add3A_40 = arith.constant 1024 : i32
    %add3A_41 = vector.broadcast %add3A_40 : i32 to vector<16xi32>
    %add3A_42 = arith.addi %min3A_38, %add3A_41 : vector<16xi32>
    %swap3A_43 = arith.constant 112 : index
    %swap3A_44 = tpu.vector_load %arg7[%swap3A_43] {strides = array<i32>} : memref<224xi32, #tpu.memory_space<vmem>>, vector<16xi32>,
    tpu.vector_store %arg7[%swap3A_43], %add3A_42 {strides = array<i32>} : memref<224xi32, #tpu.memory_space<vmem>>, vector<16xi32>,
    %and3A = arith.constant 15 : i32
    %and3A_45 = vector.broadcast %and3A : i32 to vector<16xi32>
    %and3A_46 = arith.andi %convert_element_type3A_25, %and3A_45 : vector<16xi32>
    %iota3A_47 = tpu.iota {dimensions = array<i32: 0>} : vector<16xi32>
    %add3A_48 = arith.constant 16 : i32
    %add3A_49 = vector.broadcast %add3A_48 : i32 to vector<16xi32>
    %add3A_50 = arith.addi %iota3A_47, %add3A_49 : vector<16xi32>
    %mul3A_51 = arith.constant 6 : i32
    %mul3A_52 = vector.broadcast %mul3A_51 : i32 to vector<16xi32>
    %mul3A_53 = arith.muli %add3A_50, %mul3A_52 : vector<16xi32>
    %add3A_54 = arith.constant 0 : i32
    %add3A_55 = vector.broadcast %add3A_54 : i32 to vector<16xi32>
    %add3A_56 = arith.addi %mul3A_53, %add3A_55 : vector<16xi32>
    %min3A_57 = arith.constant 599 : i32
    %min3A_58 = vector.broadcast %min3A_57 : i32 to vector<16xi32>
    %min3A_59 = arith.minsi %add3A_56, %min3A_58 : vector<16xi32>
    %gather3A_60 = tpu.vector_load_idx %arg6[%min3A_59] : memref<600xf32, #tpu.memory_space<vmem>>[vector<16xi32>], vector<16xf32>,
    %mul3A_61 = arith.constant 6 : i32
    %mul3A_62 = vector.broadcast %mul3A_61 : i32 to vector<16xi32>
    %mul3A_63 = arith.muli %add3A_50, %mul3A_62 : vector<16xi32>
    %add3A_64 = arith.constant 1 : i32
    %add3A_65 = vector.broadcast %add3A_64 : i32 to vector<16xi32>
    %add3A_66 = arith.addi %mul3A_63, %add3A_65 : vector<16xi32>
    %min3A_67 = arith.constant 599 : i32
    %min3A_68 = vector.broadcast %min3A_67 : i32 to vector<16xi32>
    %min3A_69 = arith.minsi %add3A_66, %min3A_68 : vector<16xi32>
    %gather3A_70 = tpu.vector_load_idx %arg6[%min3A_69] : memref<600xf32, #tpu.memory_space<vmem>>[vector<16xi32>], vector<16xf32>,
    %mul3A_71 = arith.constant 1.280000e+02 : f32
    %mul3A_72 = vector.broadcast %mul3A_71 : f32 to vector<16xf32>
    %mul3A_73 = arith.mulf %gather3A_60, %mul3A_72 : vector<16xf32>
    %convert_element_type3A_74 = arith.fptosi %mul3A_73 : vector<16xf32> to vector<16xi32>
    %mul3A_75 = arith.constant 1.280000e+02 : f32
    %mul3A_76 = vector.broadcast %mul3A_75 : f32 to vector<16xf32>
    %mul3A_77 = arith.mulf %gather3A_70, %mul3A_76 : vector<16xf32>
    %convert_element_type3A_78 = arith.fptosi %mul3A_77 : vector<16xf32> to vector<16xi32>
    %mul3A_79 = arith.constant 32768 : i32
    %mul3A_80 = arith.muli %arg1, %mul3A_79 : i32
    %mul3A_81 = arith.constant 128 : i32
    %mul3A_82 = vector.broadcast %mul3A_81 : i32 to vector<16xi32>
    %mul3A_83 = arith.muli %convert_element_type3A_74, %mul3A_82 : vector<16xi32>
    %add3A_84 = vector.broadcast %mul3A_80 : i32 to vector<16xi32>
    %add3A_85 = arith.addi %add3A_84, %mul3A_83 : vector<16xi32>
    %add3A_86 = arith.addi %add3A_85, %convert_element_type3A_78 : vector<16xi32>
    %shift_right_arithmetic3A_87 = arith.constant 4 : i32
    %shift_right_arithmetic3A_88 = vector.broadcast %shift_right_arithmetic3A_87 : i32 to vector<16xi32>
    %shift_right_arithmetic3A_89 = arith.shrsi %add3A_86, %shift_right_arithmetic3A_88 : vector<16xi32>
    %min3A_90 = arith.constant 31743 : i32
    %min3A_91 = vector.broadcast %min3A_90 : i32 to vector<16xi32>
    %min3A_92 = arith.minsi %shift_right_arithmetic3A_89, %min3A_91 : vector<16xi32>
    %swap3A_93 = arith.constant 16 : index
    %swap3A_94 = tpu.vector_load %arg7[%swap3A_93] {strides = array<i32>} : memref<224xi32, #tpu.memory_space<vmem>>, vector<16xi32>,
    tpu.vector_store %arg7[%swap3A_93], %min3A_92 {strides = array<i32>} : memref<224xi32, #tpu.memory_space<vmem>>, vector<16xi32>,
    %add3A_95 = arith.constant 1024 : i32
    %add3A_96 = vector.broadcast %add3A_95 : i32 to vector<16xi32>
    %add3A_97 = arith.addi %min3A_92, %add3A_96 : vector<16xi32>
    %swap3A_98 = arith.constant 128 : index
    %swap3A_99 = tpu.vector_load %arg7[%swap3A_98] {strides = array<i32>} : memref<224xi32, #tpu.memory_space<vmem>>, vector<16xi32>,
    tpu.vector_store %arg7[%swap3A_98], %add3A_97 {strides = array<i32>} : memref<224xi32, #tpu.memory_space<vmem>>, vector<16xi32>,
    %and3A_100 = arith.constant 15 : i32
    %and3A_101 = vector.broadcast %and3A_100 : i32 to vector<16xi32>
    %and3A_102 = arith.andi %convert_element_type3A_78, %and3A_101 : vector<16xi32>
    %iota3A_103 = tpu.iota {dimensions = array<i32: 0>} : vector<16xi32>
    %add3A_104 = arith.constant 32 : i32
    %add3A_105 = vector.broadcast %add3A_104 : i32 to vector<16xi32>
    %add3A_106 = arith.addi %iota3A_103, %add3A_105 : vector<16xi32>
    %mul3A_107 = arith.constant 6 : i32
    %mul3A_108 = vector.broadcast %mul3A_107 : i32 to vector<16xi32>
    %mul3A_109 = arith.muli %add3A_106, %mul3A_108 : vector<16xi32>
    %add3A_110 = arith.constant 0 : i32
    %add3A_111 = vector.broadcast %add3A_110 : i32 to vector<16xi32>
    %add3A_112 = arith.addi %mul3A_109, %add3A_111 : vector<16xi32>
    %min3A_113 = arith.constant 599 : i32
    %min3A_114 = vector.broadcast %min3A_113 : i32 to vector<16xi32>
    %min3A_115 = arith.minsi %add3A_112, %min3A_114 : vector<16xi32>
    %gather3A_116 = tpu.vector_load_idx %arg6[%min3A_115] : memref<600xf32, #tpu.memory_space<vmem>>[vector<16xi32>], vector<16xf32>,
    %mul3A_117 = arith.constant 6 : i32
    %mul3A_118 = vector.broadcast %mul3A_117 : i32 to vector<16xi32>
    %mul3A_119 = arith.muli %add3A_106, %mul3A_118 : vector<16xi32>
    %add3A_120 = arith.constant 1 : i32
    %add3A_121 = vector.broadcast %add3A_120 : i32 to vector<16xi32>
    %add3A_122 = arith.addi %mul3A_119, %add3A_121 : vector<16xi32>
    %min3A_123 = arith.constant 599 : i32
    %min3A_124 = vector.broadcast %min3A_123 : i32 to vector<16xi32>
    %min3A_125 = arith.minsi %add3A_122, %min3A_124 : vector<16xi32>
    %gather3A_126 = tpu.vector_load_idx %arg6[%min3A_125] : memref<600xf32, #tpu.memory_space<vmem>>[vector<16xi32>], vector<16xf32>,
    %mul3A_127 = arith.constant 1.280000e+02 : f32
    %mul3A_128 = vector.broadcast %mul3A_127 : f32 to vector<16xf32>
    %mul3A_129 = arith.mulf %gather3A_116, %mul3A_128 : vector<16xf32>
    %convert_element_type3A_130 = arith.fptosi %mul3A_129 : vector<16xf32> to vector<16xi32>
    %mul3A_131 = arith.constant 1.280000e+02 : f32
    %mul3A_132 = vector.broadcast %mul3A_131 : f32 to vector<16xf32>
    %mul3A_133 = arith.mulf %gather3A_126, %mul3A_132 : vector<16xf32>
    %convert_element_type3A_134 = arith.fptosi %mul3A_133 : vector<16xf32> to vector<16xi32>
    %mul3A_135 = arith.constant 32768 : i32
    %mul3A_136 = arith.muli %arg1, %mul3A_135 : i32
    %mul3A_137 = arith.constant 128 : i32
    %mul3A_138 = vector.broadcast %mul3A_137 : i32 to vector<16xi32>
    %mul3A_139 = arith.muli %convert_element_type3A_130, %mul3A_138 : vector<16xi32>
    %add3A_140 = vector.broadcast %mul3A_136 : i32 to vector<16xi32>
    %add3A_141 = arith.addi %add3A_140, %mul3A_139 : vector<16xi32>
    %add3A_142 = arith.addi %add3A_141, %convert_element_type3A_134 : vector<16xi32>
    %shift_right_arithmetic3A_143 = arith.constant 4 : i32
    %shift_right_arithmetic3A_144 = vector.broadcast %shift_right_arithmetic3A_143 : i32 to vector<16xi32>
    %shift_right_arithmetic3A_145 = arith.shrsi %add3A_142, %shift_right_arithmetic3A_144 : vector<16xi32>
    %min3A_146 = arith.constant 31743 : i32
    %min3A_147 = vector.broadcast %min3A_146 : i32 to vector<16xi32>
    %min3A_148 = arith.minsi %shift_right_arithmetic3A_145, %min3A_147 : vector<16xi32>
    %swap3A_149 = arith.constant 32 : index
    %swap3A_150 = tpu.vector_load %arg7[%swap3A_149] {strides = array<i32>} : memref<224xi32, #tpu.memory_space<vmem>>, vector<16xi32>,
    tpu.vector_store %arg7[%swap3A_149], %min3A_148 {strides = array<i32>} : memref<224xi32, #tpu.memory_space<vmem>>, vector<16xi32>,
    %add3A_151 = arith.constant 1024 : i32
    %add3A_152 = vector.broadcast %add3A_151 : i32 to vector<16xi32>
    %add3A_153 = arith.addi %min3A_148, %add3A_152 : vector<16xi32>
    %swap3A_154 = arith.constant 144 : index
    %swap3A_155 = tpu.vector_load %arg7[%swap3A_154] {strides = array<i32>} : memref<224xi32, #tpu.memory_space<vmem>>, vector<16xi32>,
    tpu.vector_store %arg7[%swap3A_154], %add3A_153 {strides = array<i32>} : memref<224xi32, #tpu.memory_space<vmem>>, vector<16xi32>,
    %and3A_156 = arith.constant 15 : i32
    %and3A_157 = vector.broadcast %and3A_156 : i32 to vector<16xi32>
    %and3A_158 = arith.andi %convert_element_type3A_134, %and3A_157 : vector<16xi32>
    %iota3A_159 = tpu.iota {dimensions = array<i32: 0>} : vector<16xi32>
    %add3A_160 = arith.constant 48 : i32
    %add3A_161 = vector.broadcast %add3A_160 : i32 to vector<16xi32>
    %add3A_162 = arith.addi %iota3A_159, %add3A_161 : vector<16xi32>
    %mul3A_163 = arith.constant 6 : i32
    %mul3A_164 = vector.broadcast %mul3A_163 : i32 to vector<16xi32>
    %mul3A_165 = arith.muli %add3A_162, %mul3A_164 : vector<16xi32>
    %add3A_166 = arith.constant 0 : i32
    %add3A_167 = vector.broadcast %add3A_166 : i32 to vector<16xi32>
    %add3A_168 = arith.addi %mul3A_165, %add3A_167 : vector<16xi32>
    %min3A_169 = arith.constant 599 : i32
    %min3A_170 = vector.broadcast %min3A_169 : i32 to vector<16xi32>
    %min3A_171 = arith.minsi %add3A_168, %min3A_170 : vector<16xi32>
    %gather3A_172 = tpu.vector_load_idx %arg6[%min3A_171] : memref<600xf32, #tpu.memory_space<vmem>>[vector<16xi32>], vector<16xf32>,
    %mul3A_173 = arith.constant 6 : i32
    %mul3A_174 = vector.broadcast %mul3A_173 : i32 to vector<16xi32>
    %mul3A_175 = arith.muli %add3A_162, %mul3A_174 : vector<16xi32>
    %add3A_176 = arith.constant 1 : i32
    %add3A_177 = vector.broadcast %add3A_176 : i32 to vector<16xi32>
    %add3A_178 = arith.addi %mul3A_175, %add3A_177 : vector<16xi32>
    %min3A_179 = arith.constant 599 : i32
    %min3A_180 = vector.broadcast %min3A_179 : i32 to vector<16xi32>
    %min3A_181 = arith.minsi %add3A_178, %min3A_180 : vector<16xi32>
    %gather3A_182 = tpu.vector_load_idx %arg6[%min3A_181] : memref<600xf32, #tpu.memory_space<vmem>>[vector<16xi32>], vector<16xf32>,
    %mul3A_183 = arith.constant 1.280000e+02 : f32
    %mul3A_184 = vector.broadcast %mul3A_183 : f32 to vector<16xf32>
    %mul3A_185 = arith.mulf %gather3A_172, %mul3A_184 : vector<16xf32>
    %convert_element_type3A_186 = arith.fptosi %mul3A_185 : vector<16xf32> to vector<16xi32>
    %mul3A_187 = arith.constant 1.280000e+02 : f32
    %mul3A_188 = vector.broadcast %mul3A_187 : f32 to vector<16xf32>
    %mul3A_189 = arith.mulf %gather3A_182, %mul3A_188 : vector<16xf32>
    %convert_element_type3A_190 = arith.fptosi %mul3A_189 : vector<16xf32> to vector<16xi32>
    %mul3A_191 = arith.constant 32768 : i32
    %mul3A_192 = arith.muli %arg1, %mul3A_191 : i32
    %mul3A_193 = arith.constant 128 : i32
    %mul3A_194 = vector.broadcast %mul3A_193 : i32 to vector<16xi32>
    %mul3A_195 = arith.muli %convert_element_type3A_186, %mul3A_194 : vector<16xi32>
    %add3A_196 = vector.broadcast %mul3A_192 : i32 to vector<16xi32>
    %add3A_197 = arith.addi %add3A_196, %mul3A_195 : vector<16xi32>
    %add3A_198 = arith.addi %add3A_197, %convert_element_type3A_190 : vector<16xi32>
    %shift_right_arithmetic3A_199 = arith.constant 4 : i32
    %shift_right_arithmetic3A_200 = vector.broadcast %shift_right_arithmetic3A_199 : i32 to vector<16xi32>
    %shift_right_arithmetic3A_201 = arith.shrsi %add3A_198, %shift_right_arithmetic3A_200 : vector<16xi32>
    %min3A_202 = arith.constant 31743 : i32
    %min3A_203 = vector.broadcast %min3A_202 : i32 to vector<16xi32>
    %min3A_204 = arith.minsi %shift_right_arithmetic3A_201, %min3A_203 : vector<16xi32>
    %swap3A_205 = arith.constant 48 : index
    %swap3A_206 = tpu.vector_load %arg7[%swap3A_205] {strides = array<i32>} : memref<224xi32, #tpu.memory_space<vmem>>, vector<16xi32>,
    tpu.vector_store %arg7[%swap3A_205], %min3A_204 {strides = array<i32>} : memref<224xi32, #tpu.memory_space<vmem>>, vector<16xi32>,
    %add3A_207 = arith.constant 1024 : i32
    %add3A_208 = vector.broadcast %add3A_207 : i32 to vector<16xi32>
    %add3A_209 = arith.addi %min3A_204, %add3A_208 : vector<16xi32>
    %swap3A_210 = arith.constant 160 : index
    %swap3A_211 = tpu.vector_load %arg7[%swap3A_210] {strides = array<i32>} : memref<224xi32, #tpu.memory_space<vmem>>, vector<16xi32>,
    tpu.vector_store %arg7[%swap3A_210], %add3A_209 {strides = array<i32>} : memref<224xi32, #tpu.memory_space<vmem>>, vector<16xi32>,
    %and3A_212 = arith.constant 15 : i32
    %and3A_213 = vector.broadcast %and3A_212 : i32 to vector<16xi32>
    %and3A_214 = arith.andi %convert_element_type3A_190, %and3A_213 : vector<16xi32>
    %iota3A_215 = tpu.iota {dimensions = array<i32: 0>} : vector<16xi32>
    %add3A_216 = arith.constant 64 : i32
    %add3A_217 = vector.broadcast %add3A_216 : i32 to vector<16xi32>
    %add3A_218 = arith.addi %iota3A_215, %add3A_217 : vector<16xi32>
    %mul3A_219 = arith.constant 6 : i32
    %mul3A_220 = vector.broadcast %mul3A_219 : i32 to vector<16xi32>
    %mul3A_221 = arith.muli %add3A_218, %mul3A_220 : vector<16xi32>
    %add3A_222 = arith.constant 0 : i32
    %add3A_223 = vector.broadcast %add3A_222 : i32 to vector<16xi32>
    %add3A_224 = arith.addi %mul3A_221, %add3A_223 : vector<16xi32>
    %min3A_225 = arith.constant 599 : i32
    %min3A_226 = vector.broadcast %min3A_225 : i32 to vector<16xi32>
    %min3A_227 = arith.minsi %add3A_224, %min3A_226 : vector<16xi32>
    %gather3A_228 = tpu.vector_load_idx %arg6[%min3A_227] : memref<600xf32, #tpu.memory_space<vmem>>[vector<16xi32>], vector<16xf32>,
    %mul3A_229 = arith.constant 6 : i32
    %mul3A_230 = vector.broadcast %mul3A_229 : i32 to vector<16xi32>
    %mul3A_231 = arith.muli %add3A_218, %mul3A_230 : vector<16xi32>
    %add3A_232 = arith.constant 1 : i32
    %add3A_233 = vector.broadcast %add3A_232 : i32 to vector<16xi32>
    %add3A_234 = arith.addi %mul3A_231, %add3A_233 : vector<16xi32>
    %min3A_235 = arith.constant 599 : i32
    %min3A_236 = vector.broadcast %min3A_235 : i32 to vector<16xi32>
    %min3A_237 = arith.minsi %add3A_234, %min3A_236 : vector<16xi32>
    %gather3A_238 = tpu.vector_load_idx %arg6[%min3A_237] : memref<600xf32, #tpu.memory_space<vmem>>[vector<16xi32>], vector<16xf32>,
    %mul3A_239 = arith.constant 1.280000e+02 : f32
    %mul3A_240 = vector.broadcast %mul3A_239 : f32 to vector<16xf32>
    %mul3A_241 = arith.mulf %gather3A_228, %mul3A_240 : vector<16xf32>
    %convert_element_type3A_242 = arith.fptosi %mul3A_241 : vector<16xf32> to vector<16xi32>
    %mul3A_243 = arith.constant 1.280000e+02 : f32
    %mul3A_244 = vector.broadcast %mul3A_243 : f32 to vector<16xf32>
    %mul3A_245 = arith.mulf %gather3A_238, %mul3A_244 : vector<16xf32>
    %convert_element_type3A_246 = arith.fptosi %mul3A_245 : vector<16xf32> to vector<16xi32>
    %mul3A_247 = arith.constant 32768 : i32
    %mul3A_248 = arith.muli %arg1, %mul3A_247 : i32
    %mul3A_249 = arith.constant 128 : i32
    %mul3A_250 = vector.broadcast %mul3A_249 : i32 to vector<16xi32>
    %mul3A_251 = arith.muli %convert_element_type3A_242, %mul3A_250 : vector<16xi32>
    %add3A_252 = vector.broadcast %mul3A_248 : i32 to vector<16xi32>
    %add3A_253 = arith.addi %add3A_252, %mul3A_251 : vector<16xi32>
    %add3A_254 = arith.addi %add3A_253, %convert_element_type3A_246 : vector<16xi32>
    %shift_right_arithmetic3A_255 = arith.constant 4 : i32
    %shift_right_arithmetic3A_256 = vector.broadcast %shift_right_arithmetic3A_255 : i32 to vector<16xi32>
    %shift_right_arithmetic3A_257 = arith.shrsi %add3A_254, %shift_right_arithmetic3A_256 : vector<16xi32>
    %min3A_258 = arith.constant 31743 : i32
    %min3A_259 = vector.broadcast %min3A_258 : i32 to vector<16xi32>
    %min3A_260 = arith.minsi %shift_right_arithmetic3A_257, %min3A_259 : vector<16xi32>
    %swap3A_261 = arith.constant 64 : index
    %swap3A_262 = tpu.vector_load %arg7[%swap3A_261] {strides = array<i32>} : memref<224xi32, #tpu.memory_space<vmem>>, vector<16xi32>,
    tpu.vector_store %arg7[%swap3A_261], %min3A_260 {strides = array<i32>} : memref<224xi32, #tpu.memory_space<vmem>>, vector<16xi32>,
    %add3A_263 = arith.constant 1024 : i32
    %add3A_264 = vector.broadcast %add3A_263 : i32 to vector<16xi32>
    %add3A_265 = arith.addi %min3A_260, %add3A_264 : vector<16xi32>
    %swap3A_266 = arith.constant 176 : index
    %swap3A_267 = tpu.vector_load %arg7[%swap3A_266] {strides = array<i32>} : memref<224xi32, #tpu.memory_space<vmem>>, vector<16xi32>,
    tpu.vector_store %arg7[%swap3A_266], %add3A_265 {strides = array<i32>} : memref<224xi32, #tpu.memory_space<vmem>>, vector<16xi32>,
    %and3A_268 = arith.constant 15 : i32
    %and3A_269 = vector.broadcast %and3A_268 : i32 to vector<16xi32>
    %and3A_270 = arith.andi %convert_element_type3A_246, %and3A_269 : vector<16xi32>
    %iota3A_271 = tpu.iota {dimensions = array<i32: 0>} : vector<16xi32>
    %add3A_272 = arith.constant 80 : i32
    %add3A_273 = vector.broadcast %add3A_272 : i32 to vector<16xi32>
    %add3A_274 = arith.addi %iota3A_271, %add3A_273 : vector<16xi32>
    %mul3A_275 = arith.constant 6 : i32
    %mul3A_276 = vector.broadcast %mul3A_275 : i32 to vector<16xi32>
    %mul3A_277 = arith.muli %add3A_274, %mul3A_276 : vector<16xi32>
    %add3A_278 = arith.constant 0 : i32
    %add3A_279 = vector.broadcast %add3A_278 : i32 to vector<16xi32>
    %add3A_280 = arith.addi %mul3A_277, %add3A_279 : vector<16xi32>
    %min3A_281 = arith.constant 599 : i32
    %min3A_282 = vector.broadcast %min3A_281 : i32 to vector<16xi32>
    %min3A_283 = arith.minsi %add3A_280, %min3A_282 : vector<16xi32>
    %gather3A_284 = tpu.vector_load_idx %arg6[%min3A_283] : memref<600xf32, #tpu.memory_space<vmem>>[vector<16xi32>], vector<16xf32>,
    %mul3A_285 = arith.constant 6 : i32
    %mul3A_286 = vector.broadcast %mul3A_285 : i32 to vector<16xi32>
    %mul3A_287 = arith.muli %add3A_274, %mul3A_286 : vector<16xi32>
    %add3A_288 = arith.constant 1 : i32
    %add3A_289 = vector.broadcast %add3A_288 : i32 to vector<16xi32>
    %add3A_290 = arith.addi %mul3A_287, %add3A_289 : vector<16xi32>
    %min3A_291 = arith.constant 599 : i32
    %min3A_292 = vector.broadcast %min3A_291 : i32 to vector<16xi32>
    %min3A_293 = arith.minsi %add3A_290, %min3A_292 : vector<16xi32>
    %gather3A_294 = tpu.vector_load_idx %arg6[%min3A_293] : memref<600xf32, #tpu.memory_space<vmem>>[vector<16xi32>], vector<16xf32>,
    %mul3A_295 = arith.constant 1.280000e+02 : f32
    %mul3A_296 = vector.broadcast %mul3A_295 : f32 to vector<16xf32>
    %mul3A_297 = arith.mulf %gather3A_284, %mul3A_296 : vector<16xf32>
    %convert_element_type3A_298 = arith.fptosi %mul3A_297 : vector<16xf32> to vector<16xi32>
    %mul3A_299 = arith.constant 1.280000e+02 : f32
    %mul3A_300 = vector.broadcast %mul3A_299 : f32 to vector<16xf32>
    %mul3A_301 = arith.mulf %gather3A_294, %mul3A_300 : vector<16xf32>
    %convert_element_type3A_302 = arith.fptosi %mul3A_301 : vector<16xf32> to vector<16xi32>
    %mul3A_303 = arith.constant 32768 : i32
    %mul3A_304 = arith.muli %arg1, %mul3A_303 : i32
    %mul3A_305 = arith.constant 128 : i32
    %mul3A_306 = vector.broadcast %mul3A_305 : i32 to vector<16xi32>
    %mul3A_307 = arith.muli %convert_element_type3A_298, %mul3A_306 : vector<16xi32>
    %add3A_308 = vector.broadcast %mul3A_304 : i32 to vector<16xi32>
    %add3A_309 = arith.addi %add3A_308, %mul3A_307 : vector<16xi32>
    %add3A_310 = arith.addi %add3A_309, %convert_element_type3A_302 : vector<16xi32>
    %shift_right_arithmetic3A_311 = arith.constant 4 : i32
    %shift_right_arithmetic3A_312 = vector.broadcast %shift_right_arithmetic3A_311 : i32 to vector<16xi32>
    %shift_right_arithmetic3A_313 = arith.shrsi %add3A_310, %shift_right_arithmetic3A_312 : vector<16xi32>
    %min3A_314 = arith.constant 31743 : i32
    %min3A_315 = vector.broadcast %min3A_314 : i32 to vector<16xi32>
    %min3A_316 = arith.minsi %shift_right_arithmetic3A_313, %min3A_315 : vector<16xi32>
    %swap3A_317 = arith.constant 80 : index
    %swap3A_318 = tpu.vector_load %arg7[%swap3A_317] {strides = array<i32>} : memref<224xi32, #tpu.memory_space<vmem>>, vector<16xi32>,
    tpu.vector_store %arg7[%swap3A_317], %min3A_316 {strides = array<i32>} : memref<224xi32, #tpu.memory_space<vmem>>, vector<16xi32>,
    %add3A_319 = arith.constant 1024 : i32
    %add3A_320 = vector.broadcast %add3A_319 : i32 to vector<16xi32>
    %add3A_321 = arith.addi %min3A_316, %add3A_320 : vector<16xi32>
    %swap3A_322 = arith.constant 192 : index
    %swap3A_323 = tpu.vector_load %arg7[%swap3A_322] {strides = array<i32>} : memref<224xi32, #tpu.memory_space<vmem>>, vector<16xi32>,
    tpu.vector_store %arg7[%swap3A_322], %add3A_321 {strides = array<i32>} : memref<224xi32, #tpu.memory_space<vmem>>, vector<16xi32>,
    %and3A_324 = arith.constant 15 : i32
    %and3A_325 = vector.broadcast %and3A_324 : i32 to vector<16xi32>
    %and3A_326 = arith.andi %convert_element_type3A_302, %and3A_325 : vector<16xi32>
    %iota3A_327 = tpu.iota {dimensions = array<i32: 0>} : vector<16xi32>
    %add3A_328 = arith.constant 96 : i32
    %add3A_329 = vector.broadcast %add3A_328 : i32 to vector<16xi32>
    %add3A_330 = arith.addi %iota3A_327, %add3A_329 : vector<16xi32>
    %mul3A_331 = arith.constant 6 : i32
    %mul3A_332 = vector.broadcast %mul3A_331 : i32 to vector<16xi32>
    %mul3A_333 = arith.muli %add3A_330, %mul3A_332 : vector<16xi32>
    %add3A_334 = arith.constant 0 : i32
    %add3A_335 = vector.broadcast %add3A_334 : i32 to vector<16xi32>
    %add3A_336 = arith.addi %mul3A_333, %add3A_335 : vector<16xi32>
    %min3A_337 = arith.constant 599 : i32
    %min3A_338 = vector.broadcast %min3A_337 : i32 to vector<16xi32>
    %min3A_339 = arith.minsi %add3A_336, %min3A_338 : vector<16xi32>
    %gather3A_340 = tpu.vector_load_idx %arg6[%min3A_339] : memref<600xf32, #tpu.memory_space<vmem>>[vector<16xi32>], vector<16xf32>,
    %mul3A_341 = arith.constant 6 : i32
    %mul3A_342 = vector.broadcast %mul3A_341 : i32 to vector<16xi32>
    %mul3A_343 = arith.muli %add3A_330, %mul3A_342 : vector<16xi32>
    %add3A_344 = arith.constant 1 : i32
    %add3A_345 = vector.broadcast %add3A_344 : i32 to vector<16xi32>
    %add3A_346 = arith.addi %mul3A_343, %add3A_345 : vector<16xi32>
    %min3A_347 = arith.constant 599 : i32
    %min3A_348 = vector.broadcast %min3A_347 : i32 to vector<16xi32>
    %min3A_349 = arith.minsi %add3A_346, %min3A_348 : vector<16xi32>
    %gather3A_350 = tpu.vector_load_idx %arg6[%min3A_349] : memref<600xf32, #tpu.memory_space<vmem>>[vector<16xi32>], vector<16xf32>,
    %mul3A_351 = arith.constant 1.280000e+02 : f32
    %mul3A_352 = vector.broadcast %mul3A_351 : f32 to vector<16xf32>
    %mul3A_353 = arith.mulf %gather3A_340, %mul3A_352 : vector<16xf32>
    %convert_element_type3A_354 = arith.fptosi %mul3A_353 : vector<16xf32> to vector<16xi32>
    %mul3A_355 = arith.constant 1.280000e+02 : f32
    %mul3A_356 = vector.broadcast %mul3A_355 : f32 to vector<16xf32>
    %mul3A_357 = arith.mulf %gather3A_350, %mul3A_356 : vector<16xf32>
    %convert_element_type3A_358 = arith.fptosi %mul3A_357 : vector<16xf32> to vector<16xi32>
    %mul3A_359 = arith.constant 32768 : i32
    %mul3A_360 = arith.muli %arg1, %mul3A_359 : i32
    %mul3A_361 = arith.constant 128 : i32
    %mul3A_362 = vector.broadcast %mul3A_361 : i32 to vector<16xi32>
    %mul3A_363 = arith.muli %convert_element_type3A_354, %mul3A_362 : vector<16xi32>
    %add3A_364 = vector.broadcast %mul3A_360 : i32 to vector<16xi32>
    %add3A_365 = arith.addi %add3A_364, %mul3A_363 : vector<16xi32>
    %add3A_366 = arith.addi %add3A_365, %convert_element_type3A_358 : vector<16xi32>
    %shift_right_arithmetic3A_367 = arith.constant 4 : i32
    %shift_right_arithmetic3A_368 = vector.broadcast %shift_right_arithmetic3A_367 : i32 to vector<16xi32>
    %shift_right_arithmetic3A_369 = arith.shrsi %add3A_366, %shift_right_arithmetic3A_368 : vector<16xi32>
    %min3A_370 = arith.constant 31743 : i32
    %min3A_371 = vector.broadcast %min3A_370 : i32 to vector<16xi32>
    %min3A_372 = arith.minsi %shift_right_arithmetic3A_369, %min3A_371 : vector<16xi32>
    %swap3A_373 = arith.constant 96 : index
    %swap3A_374 = tpu.vector_load %arg7[%swap3A_373] {strides = array<i32>} : memref<224xi32, #tpu.memory_space<vmem>>, vector<16xi32>,
    tpu.vector_store %arg7[%swap3A_373], %min3A_372 {strides = array<i32>} : memref<224xi32, #tpu.memory_space<vmem>>, vector<16xi32>,
    %add3A_375 = arith.constant 1024 : i32
    %add3A_376 = vector.broadcast %add3A_375 : i32 to vector<16xi32>
    %add3A_377 = arith.addi %min3A_372, %add3A_376 : vector<16xi32>
    %swap3A_378 = arith.constant 208 : index
    %swap3A_379 = tpu.vector_load %arg7[%swap3A_378] {strides = array<i32>} : memref<224xi32, #tpu.memory_space<vmem>>, vector<16xi32>,
    tpu.vector_store %arg7[%swap3A_378], %add3A_377 {strides = array<i32>} : memref<224xi32, #tpu.memory_space<vmem>>, vector<16xi32>,
    %and3A_380 = arith.constant 15 : i32
    %and3A_381 = vector.broadcast %and3A_380 : i32 to vector<16xi32>
    %and3A_382 = arith.andi %convert_element_type3A_358, %and3A_381 : vector<16xi32>
    %dma_start3A = arith.constant 0 : i32
    %dma_start3A_383 = arith.constant 0 : i32
    %dma_start3A_384 = tpu.memref_slice %arg2[%dma_start3A, %dma_start3A_383] : memref<32768x16xf32, #tpu.memory_space<hbm>> -> memref<32768x16xf32, #tpu.memory_space<hbm>>
    tpu.enqueue_indirect_dma source(%dma_start3A_384 : memref<32768x16xf32, #tpu.memory_space<hbm>>) target(%arg8 : memref<224x16xf32, #tpu.memory_space<vmem>>) offsets(%arg7 : memref<224xi32, #tpu.memory_space<vmem>>) semaphore(%arg14 : memref<!tpu.dma_semaphore, #tpu.memory_space<semaphore_mem>>)
    %dma_start3A_385 = arith.constant 0 : i32
    %dma_start3A_386 = arith.constant 0 : i32
    %dma_start3A_387 = tpu.memref_slice %arg3[%dma_start3A_385, %dma_start3A_386] : memref<32768x16xf32, #tpu.memory_space<hbm>> -> memref<32768x16xf32, #tpu.memory_space<hbm>>
    tpu.enqueue_indirect_dma source(%dma_start3A_387 : memref<32768x16xf32, #tpu.memory_space<hbm>>) target(%arg9 : memref<224x16xf32, #tpu.memory_space<vmem>>) offsets(%arg7 : memref<224xi32, #tpu.memory_space<vmem>>) semaphore(%arg15 : memref<!tpu.dma_semaphore, #tpu.memory_space<semaphore_mem>>)
    %iota3A_388 = tpu.iota {dimensions = array<i32: 0>} : vector<16xi32>
    %add3A_389 = arith.constant 0 : i32
    %add3A_390 = vector.broadcast %add3A_389 : i32 to vector<16xi32>
    %add3A_391 = arith.addi %iota3A_388, %add3A_390 : vector<16xi32>
    %mul3A_392 = arith.constant 6 : i32
    %mul3A_393 = vector.broadcast %mul3A_392 : i32 to vector<16xi32>
    %mul3A_394 = arith.muli %add3A_391, %mul3A_393 : vector<16xi32>
    %add3A_395 = arith.constant 2 : i32
    %add3A_396 = vector.broadcast %add3A_395 : i32 to vector<16xi32>
    %add3A_397 = arith.addi %mul3A_394, %add3A_396 : vector<16xi32>
    %min3A_398 = arith.constant 599 : i32
    %min3A_399 = vector.broadcast %min3A_398 : i32 to vector<16xi32>
    %min3A_400 = arith.minsi %add3A_397, %min3A_399 : vector<16xi32>
    %gather3A_401 = tpu.vector_load_idx %arg6[%min3A_400] : memref<600xf32, #tpu.memory_space<vmem>>[vector<16xi32>], vector<16xf32>,
    %mul3A_402 = arith.constant 6 : i32
    %mul3A_403 = vector.broadcast %mul3A_402 : i32 to vector<16xi32>
    %mul3A_404 = arith.muli %add3A_391, %mul3A_403 : vector<16xi32>
    %add3A_405 = arith.constant 3 : i32
    %add3A_406 = vector.broadcast %add3A_405 : i32 to vector<16xi32>
    %add3A_407 = arith.addi %mul3A_404, %add3A_406 : vector<16xi32>
    %min3A_408 = arith.constant 599 : i32
    %min3A_409 = vector.broadcast %min3A_408 : i32 to vector<16xi32>
    %min3A_410 = arith.minsi %add3A_407, %min3A_409 : vector<16xi32>
    %gather3A_411 = tpu.vector_load_idx %arg6[%min3A_410] : memref<600xf32, #tpu.memory_space<vmem>>[vector<16xi32>], vector<16xf32>,
    %iota3A_412 = tpu.iota {dimensions = array<i32: 0>} : vector<16xi32>
    %add3A_413 = arith.constant 16 : i32
    %add3A_414 = vector.broadcast %add3A_413 : i32 to vector<16xi32>
    %add3A_415 = arith.addi %iota3A_412, %add3A_414 : vector<16xi32>
    %mul3A_416 = arith.constant 6 : i32
    %mul3A_417 = vector.broadcast %mul3A_416 : i32 to vector<16xi32>
    %mul3A_418 = arith.muli %add3A_415, %mul3A_417 : vector<16xi32>
    %add3A_419 = arith.constant 2 : i32
    %add3A_420 = vector.broadcast %add3A_419 : i32 to vector<16xi32>
    %add3A_421 = arith.addi %mul3A_418, %add3A_420 : vector<16xi32>
    %min3A_422 = arith.constant 599 : i32
    %min3A_423 = vector.broadcast %min3A_422 : i32 to vector<16xi32>
    %min3A_424 = arith.minsi %add3A_421, %min3A_423 : vector<16xi32>
    %gather3A_425 = tpu.vector_load_idx %arg6[%min3A_424] : memref<600xf32, #tpu.memory_space<vmem>>[vector<16xi32>], vector<16xf32>,
    %mul3A_426 = arith.constant 6 : i32
    %mul3A_427 = vector.broadcast %mul3A_426 : i32 to vector<16xi32>
    %mul3A_428 = arith.muli %add3A_415, %mul3A_427 : vector<16xi32>
    %add3A_429 = arith.constant 3 : i32
    %add3A_430 = vector.broadcast %add3A_429 : i32 to vector<16xi32>
    %add3A_431 = arith.addi %mul3A_428, %add3A_430 : vector<16xi32>
    %min3A_432 = arith.constant 599 : i32
    %min3A_433 = vector.broadcast %min3A_432 : i32 to vector<16xi32>
    %min3A_434 = arith.minsi %add3A_431, %min3A_433 : vector<16xi32>
    %gather3A_435 = tpu.vector_load_idx %arg6[%min3A_434] : memref<600xf32, #tpu.memory_space<vmem>>[vector<16xi32>], vector<16xf32>,
    %iota3A_436 = tpu.iota {dimensions = array<i32: 0>} : vector<16xi32>
    %add3A_437 = arith.constant 32 : i32
    %add3A_438 = vector.broadcast %add3A_437 : i32 to vector<16xi32>
    %add3A_439 = arith.addi %iota3A_436, %add3A_438 : vector<16xi32>
    %mul3A_440 = arith.constant 6 : i32
    %mul3A_441 = vector.broadcast %mul3A_440 : i32 to vector<16xi32>
    %mul3A_442 = arith.muli %add3A_439, %mul3A_441 : vector<16xi32>
    %add3A_443 = arith.constant 2 : i32
    %add3A_444 = vector.broadcast %add3A_443 : i32 to vector<16xi32>
    %add3A_445 = arith.addi %mul3A_442, %add3A_444 : vector<16xi32>
    %min3A_446 = arith.constant 599 : i32
    %min3A_447 = vector.broadcast %min3A_446 : i32 to vector<16xi32>
    %min3A_448 = arith.minsi %add3A_445, %min3A_447 : vector<16xi32>
    %gather3A_449 = tpu.vector_load_idx %arg6[%min3A_448] : memref<600xf32, #tpu.memory_space<vmem>>[vector<16xi32>], vector<16xf32>,
    %mul3A_450 = arith.constant 6 : i32
    %mul3A_451 = vector.broadcast %mul3A_450 : i32 to vector<16xi32>
    %mul3A_452 = arith.muli %add3A_439, %mul3A_451 : vector<16xi32>
    %add3A_453 = arith.constant 3 : i32
    %add3A_454 = vector.broadcast %add3A_453 : i32 to vector<16xi32>
    %add3A_455 = arith.addi %mul3A_452, %add3A_454 : vector<16xi32>
    %min3A_456 = arith.constant 599 : i32
    %min3A_457 = vector.broadcast %min3A_456 : i32 to vector<16xi32>
    %min3A_458 = arith.minsi %add3A_455, %min3A_457 : vector<16xi32>
    %gather3A_459 = tpu.vector_load_idx %arg6[%min3A_458] : memref<600xf32, #tpu.memory_space<vmem>>[vector<16xi32>], vector<16xf32>,
    %iota3A_460 = tpu.iota {dimensions = array<i32: 0>} : vector<16xi32>
    %add3A_461 = arith.constant 48 : i32
    %add3A_462 = vector.broadcast %add3A_461 : i32 to vector<16xi32>
    %add3A_463 = arith.addi %iota3A_460, %add3A_462 : vector<16xi32>
    %mul3A_464 = arith.constant 6 : i32
    %mul3A_465 = vector.broadcast %mul3A_464 : i32 to vector<16xi32>
    %mul3A_466 = arith.muli %add3A_463, %mul3A_465 : vector<16xi32>
    %add3A_467 = arith.constant 2 : i32
    %add3A_468 = vector.broadcast %add3A_467 : i32 to vector<16xi32>
    %add3A_469 = arith.addi %mul3A_466, %add3A_468 : vector<16xi32>
    %min3A_470 = arith.constant 599 : i32
    %min3A_471 = vector.broadcast %min3A_470 : i32 to vector<16xi32>
    %min3A_472 = arith.minsi %add3A_469, %min3A_471 : vector<16xi32>
    %gather3A_473 = tpu.vector_load_idx %arg6[%min3A_472] : memref<600xf32, #tpu.memory_space<vmem>>[vector<16xi32>], vector<16xf32>,
    %mul3A_474 = arith.constant 6 : i32
    %mul3A_475 = vector.broadcast %mul3A_474 : i32 to vector<16xi32>
    %mul3A_476 = arith.muli %add3A_463, %mul3A_475 : vector<16xi32>
    %add3A_477 = arith.constant 3 : i32
    %add3A_478 = vector.broadcast %add3A_477 : i32 to vector<16xi32>
    %add3A_479 = arith.addi %mul3A_476, %add3A_478 : vector<16xi32>
    %min3A_480 = arith.constant 599 : i32
    %min3A_481 = vector.broadcast %min3A_480 : i32 to vector<16xi32>
    %min3A_482 = arith.minsi %add3A_479, %min3A_481 : vector<16xi32>
    %gather3A_483 = tpu.vector_load_idx %arg6[%min3A_482] : memref<600xf32, #tpu.memory_space<vmem>>[vector<16xi32>], vector<16xf32>,
    %iota3A_484 = tpu.iota {dimensions = array<i32: 0>} : vector<16xi32>
    %add3A_485 = arith.constant 64 : i32
    %add3A_486 = vector.broadcast %add3A_485 : i32 to vector<16xi32>
    %add3A_487 = arith.addi %iota3A_484, %add3A_486 : vector<16xi32>
    %mul3A_488 = arith.constant 6 : i32
    %mul3A_489 = vector.broadcast %mul3A_488 : i32 to vector<16xi32>
    %mul3A_490 = arith.muli %add3A_487, %mul3A_489 : vector<16xi32>
    %add3A_491 = arith.constant 2 : i32
    %add3A_492 = vector.broadcast %add3A_491 : i32 to vector<16xi32>
    %add3A_493 = arith.addi %mul3A_490, %add3A_492 : vector<16xi32>
    %min3A_494 = arith.constant 599 : i32
    %min3A_495 = vector.broadcast %min3A_494 : i32 to vector<16xi32>
    %min3A_496 = arith.minsi %add3A_493, %min3A_495 : vector<16xi32>
    %gather3A_497 = tpu.vector_load_idx %arg6[%min3A_496] : memref<600xf32, #tpu.memory_space<vmem>>[vector<16xi32>], vector<16xf32>,
    %mul3A_498 = arith.constant 6 : i32
    %mul3A_499 = vector.broadcast %mul3A_498 : i32 to vector<16xi32>
    %mul3A_500 = arith.muli %add3A_487, %mul3A_499 : vector<16xi32>
    %add3A_501 = arith.constant 3 : i32
    %add3A_502 = vector.broadcast %add3A_501 : i32 to vector<16xi32>
    %add3A_503 = arith.addi %mul3A_500, %add3A_502 : vector<16xi32>
    %min3A_504 = arith.constant 599 : i32
    %min3A_505 = vector.broadcast %min3A_504 : i32 to vector<16xi32>
    %min3A_506 = arith.minsi %add3A_503, %min3A_505 : vector<16xi32>
    %gather3A_507 = tpu.vector_load_idx %arg6[%min3A_506] : memref<600xf32, #tpu.memory_space<vmem>>[vector<16xi32>], vector<16xf32>,
    %iota3A_508 = tpu.iota {dimensions = array<i32: 0>} : vector<16xi32>
    %add3A_509 = arith.constant 80 : i32
    %add3A_510 = vector.broadcast %add3A_509 : i32 to vector<16xi32>
    %add3A_511 = arith.addi %iota3A_508, %add3A_510 : vector<16xi32>
    %mul3A_512 = arith.constant 6 : i32
    %mul3A_513 = vector.broadcast %mul3A_512 : i32 to vector<16xi32>
    %mul3A_514 = arith.muli %add3A_511, %mul3A_513 : vector<16xi32>
    %add3A_515 = arith.constant 2 : i32
    %add3A_516 = vector.broadcast %add3A_515 : i32 to vector<16xi32>
    %add3A_517 = arith.addi %mul3A_514, %add3A_516 : vector<16xi32>
    %min3A_518 = arith.constant 599 : i32
    %min3A_519 = vector.broadcast %min3A_518 : i32 to vector<16xi32>
    %min3A_520 = arith.minsi %add3A_517, %min3A_519 : vector<16xi32>
    %gather3A_521 = tpu.vector_load_idx %arg6[%min3A_520] : memref<600xf32, #tpu.memory_space<vmem>>[vector<16xi32>], vector<16xf32>,
    %mul3A_522 = arith.constant 6 : i32
    %mul3A_523 = vector.broadcast %mul3A_522 : i32 to vector<16xi32>
    %mul3A_524 = arith.muli %add3A_511, %mul3A_523 : vector<16xi32>
    %add3A_525 = arith.constant 3 : i32
    %add3A_526 = vector.broadcast %add3A_525 : i32 to vector<16xi32>
    %add3A_527 = arith.addi %mul3A_524, %add3A_526 : vector<16xi32>
    %min3A_528 = arith.constant 599 : i32
    %min3A_529 = vector.broadcast %min3A_528 : i32 to vector<16xi32>
    %min3A_530 = arith.minsi %add3A_527, %min3A_529 : vector<16xi32>
    %gather3A_531 = tpu.vector_load_idx %arg6[%min3A_530] : memref<600xf32, #tpu.memory_space<vmem>>[vector<16xi32>], vector<16xf32>,
    %iota3A_532 = tpu.iota {dimensions = array<i32: 0>} : vector<16xi32>
    %add3A_533 = arith.constant 96 : i32
    %add3A_534 = vector.broadcast %add3A_533 : i32 to vector<16xi32>
    %add3A_535 = arith.addi %iota3A_532, %add3A_534 : vector<16xi32>
    %mul3A_536 = arith.constant 6 : i32
    %mul3A_537 = vector.broadcast %mul3A_536 : i32 to vector<16xi32>
    %mul3A_538 = arith.muli %add3A_535, %mul3A_537 : vector<16xi32>
    %add3A_539 = arith.constant 2 : i32
    %add3A_540 = vector.broadcast %add3A_539 : i32 to vector<16xi32>
    %add3A_541 = arith.addi %mul3A_538, %add3A_540 : vector<16xi32>
    %min3A_542 = arith.constant 599 : i32
    %min3A_543 = vector.broadcast %min3A_542 : i32 to vector<16xi32>
    %min3A_544 = arith.minsi %add3A_541, %min3A_543 : vector<16xi32>
    %gather3A_545 = tpu.vector_load_idx %arg6[%min3A_544] : memref<600xf32, #tpu.memory_space<vmem>>[vector<16xi32>], vector<16xf32>,
    %mul3A_546 = arith.constant 6 : i32
    %mul3A_547 = vector.broadcast %mul3A_546 : i32 to vector<16xi32>
    %mul3A_548 = arith.muli %add3A_535, %mul3A_547 : vector<16xi32>
    %add3A_549 = arith.constant 3 : i32
    %add3A_550 = vector.broadcast %add3A_549 : i32 to vector<16xi32>
    %add3A_551 = arith.addi %mul3A_548, %add3A_550 : vector<16xi32>
    %min3A_552 = arith.constant 599 : i32
    %min3A_553 = vector.broadcast %min3A_552 : i32 to vector<16xi32>
    %min3A_554 = arith.minsi %add3A_551, %min3A_553 : vector<16xi32>
    %gather3A_555 = tpu.vector_load_idx %arg6[%min3A_554] : memref<600xf32, #tpu.memory_space<vmem>>[vector<16xi32>], vector<16xf32>,
    %broadcast_in_dim3A = arith.constant 0.000000e+00 : f32
    %broadcast_in_dim3A_556 = vector.broadcast %broadcast_in_dim3A : f32 to vector<16xf32>
    %dma_wait3A = arith.constant 0 : i32
    %dma_wait3A_557 = arith.constant 0 : i32
    %dma_wait3A_558 = tpu.memref_slice %arg2[%dma_wait3A, %dma_wait3A_557] : memref<32768x16xf32, #tpu.memory_space<hbm>> -> memref<32768x16xf32, #tpu.memory_space<hbm>>
    tpu.wait_indirect_dma semaphore(%arg14 : memref<!tpu.dma_semaphore, #tpu.memory_space<semaphore_mem>>) src(%dma_wait3A_558 : memref<32768x16xf32, #tpu.memory_space<hbm>>) dst(%arg8 : memref<224x16xf32, #tpu.memory_space<vmem>>)
    %iota3A_559 = tpu.iota {dimensions = array<i32: 0>} : vector<16xi32>
    %add3A_560 = arith.constant 0 : i32
    %add3A_561 = vector.broadcast %add3A_560 : i32 to vector<16xi32>
    %add3A_562 = arith.addi %iota3A_559, %add3A_561 : vector<16xi32>
    %lt3A = arith.constant 100 : i32
    %lt3A_563 = vector.broadcast %lt3A : i32 to vector<16xi32>
    %lt3A_564 = arith.cmpi slt, %add3A_562, %lt3A_563 : vector<16xi32>
    %gather3A_565 = tpu.vector_load_idx %arg8[%add3A_562, %and3A_46] : memref<224x16xf32, #tpu.memory_space<vmem>>[vector<16xi32>, vector<16xi32>], vector<16xf32>,
    %add3A_566 = arith.constant 112 : i32
    %add3A_567 = vector.broadcast %add3A_566 : i32 to vector<16xi32>
    %add3A_568 = arith.addi %add3A_562, %add3A_567 : vector<16xi32>
    %gather3A_569 = tpu.vector_load_idx %arg8[%add3A_568, %and3A_46] : memref<224x16xf32, #tpu.memory_space<vmem>>[vector<16xi32>, vector<16xi32>], vector<16xf32>,
    %sub3A = arith.subf %gather3A_565, %gather3A_401 : vector<16xf32>
    %abs3A = math.absf %sub3A : vector<16xf32>
    %sub3A_570 = arith.subf %gather3A_569, %gather3A_411 : vector<16xf32>
    %abs3A_571 = math.absf %sub3A_570 : vector<16xf32>
    %add3A_572 = arith.addf %abs3A, %abs3A_571 : vector<16xf32>
    %mul3A_573 = arith.constant 1.000000e-01 : f32
    %mul3A_574 = vector.broadcast %mul3A_573 : f32 to vector<16xf32>
    %mul3A_575 = arith.mulf %mul3A_574, %add3A_572 : vector<16xf32>
    %jit3A = arith.constant 0.000000e+00 : f32
    %broadcast_in_dim3A_576 = vector.broadcast %jit3A : f32 to vector<16xf32>
    %select_n3A = arith.select %lt3A_564, %mul3A_575, %broadcast_in_dim3A_576 : vector<16xi1>, vector<16xf32>
    %add3A_577 = arith.addf %broadcast_in_dim3A_556, %select_n3A : vector<16xf32>
    %iota3A_578 = tpu.iota {dimensions = array<i32: 0>} : vector<16xi32>
    %add3A_579 = arith.constant 16 : i32
    %add3A_580 = vector.broadcast %add3A_579 : i32 to vector<16xi32>
    %add3A_581 = arith.addi %iota3A_578, %add3A_580 : vector<16xi32>
    %lt3A_582 = arith.constant 100 : i32
    %lt3A_583 = vector.broadcast %lt3A_582 : i32 to vector<16xi32>
    %lt3A_584 = arith.cmpi slt, %add3A_581, %lt3A_583 : vector<16xi32>
    %gather3A_585 = tpu.vector_load_idx %arg8[%add3A_581, %and3A_102] : memref<224x16xf32, #tpu.memory_space<vmem>>[vector<16xi32>, vector<16xi32>], vector<16xf32>,
    %add3A_586 = arith.constant 112 : i32
    %add3A_587 = vector.broadcast %add3A_586 : i32 to vector<16xi32>
    %add3A_588 = arith.addi %add3A_581, %add3A_587 : vector<16xi32>
    %gather3A_589 = tpu.vector_load_idx %arg8[%add3A_588, %and3A_102] : memref<224x16xf32, #tpu.memory_space<vmem>>[vector<16xi32>, vector<16xi32>], vector<16xf32>,
    %sub3A_590 = arith.subf %gather3A_585, %gather3A_425 : vector<16xf32>
    %abs3A_591 = math.absf %sub3A_590 : vector<16xf32>
    %sub3A_592 = arith.subf %gather3A_589, %gather3A_435 : vector<16xf32>
    %abs3A_593 = math.absf %sub3A_592 : vector<16xf32>
    %add3A_594 = arith.addf %abs3A_591, %abs3A_593 : vector<16xf32>
    %mul3A_595 = arith.constant 1.000000e-01 : f32
    %mul3A_596 = vector.broadcast %mul3A_595 : f32 to vector<16xf32>
    %mul3A_597 = arith.mulf %mul3A_596, %add3A_594 : vector<16xf32>
    %jit3A_598 = arith.constant 0.000000e+00 : f32
    %broadcast_in_dim3A_599 = vector.broadcast %jit3A_598 : f32 to vector<16xf32>
    %select_n3A_600 = arith.select %lt3A_584, %mul3A_597, %broadcast_in_dim3A_599 : vector<16xi1>, vector<16xf32>
    %add3A_601 = arith.addf %add3A_577, %select_n3A_600 : vector<16xf32>
    %iota3A_602 = tpu.iota {dimensions = array<i32: 0>} : vector<16xi32>
    %add3A_603 = arith.constant 32 : i32
    %add3A_604 = vector.broadcast %add3A_603 : i32 to vector<16xi32>
    %add3A_605 = arith.addi %iota3A_602, %add3A_604 : vector<16xi32>
    %lt3A_606 = arith.constant 100 : i32
    %lt3A_607 = vector.broadcast %lt3A_606 : i32 to vector<16xi32>
    %lt3A_608 = arith.cmpi slt, %add3A_605, %lt3A_607 : vector<16xi32>
    %gather3A_609 = tpu.vector_load_idx %arg8[%add3A_605, %and3A_158] : memref<224x16xf32, #tpu.memory_space<vmem>>[vector<16xi32>, vector<16xi32>], vector<16xf32>,
    %add3A_610 = arith.constant 112 : i32
    %add3A_611 = vector.broadcast %add3A_610 : i32 to vector<16xi32>
    %add3A_612 = arith.addi %add3A_605, %add3A_611 : vector<16xi32>
    %gather3A_613 = tpu.vector_load_idx %arg8[%add3A_612, %and3A_158] : memref<224x16xf32, #tpu.memory_space<vmem>>[vector<16xi32>, vector<16xi32>], vector<16xf32>,
    %sub3A_614 = arith.subf %gather3A_609, %gather3A_449 : vector<16xf32>
    %abs3A_615 = math.absf %sub3A_614 : vector<16xf32>
    %sub3A_616 = arith.subf %gather3A_613, %gather3A_459 : vector<16xf32>
    %abs3A_617 = math.absf %sub3A_616 : vector<16xf32>
    %add3A_618 = arith.addf %abs3A_615, %abs3A_617 : vector<16xf32>
    %mul3A_619 = arith.constant 1.000000e-01 : f32
    %mul3A_620 = vector.broadcast %mul3A_619 : f32 to vector<16xf32>
    %mul3A_621 = arith.mulf %mul3A_620, %add3A_618 : vector<16xf32>
    %jit3A_622 = arith.constant 0.000000e+00 : f32
    %broadcast_in_dim3A_623 = vector.broadcast %jit3A_622 : f32 to vector<16xf32>
    %select_n3A_624 = arith.select %lt3A_608, %mul3A_621, %broadcast_in_dim3A_623 : vector<16xi1>, vector<16xf32>
    %add3A_625 = arith.addf %add3A_601, %select_n3A_624 : vector<16xf32>
    %iota3A_626 = tpu.iota {dimensions = array<i32: 0>} : vector<16xi32>
    %add3A_627 = arith.constant 48 : i32
    %add3A_628 = vector.broadcast %add3A_627 : i32 to vector<16xi32>
    %add3A_629 = arith.addi %iota3A_626, %add3A_628 : vector<16xi32>
    %lt3A_630 = arith.constant 100 : i32
    %lt3A_631 = vector.broadcast %lt3A_630 : i32 to vector<16xi32>
    %lt3A_632 = arith.cmpi slt, %add3A_629, %lt3A_631 : vector<16xi32>
    %gather3A_633 = tpu.vector_load_idx %arg8[%add3A_629, %and3A_214] : memref<224x16xf32, #tpu.memory_space<vmem>>[vector<16xi32>, vector<16xi32>], vector<16xf32>,
    %add3A_634 = arith.constant 112 : i32
    %add3A_635 = vector.broadcast %add3A_634 : i32 to vector<16xi32>
    %add3A_636 = arith.addi %add3A_629, %add3A_635 : vector<16xi32>
    %gather3A_637 = tpu.vector_load_idx %arg8[%add3A_636, %and3A_214] : memref<224x16xf32, #tpu.memory_space<vmem>>[vector<16xi32>, vector<16xi32>], vector<16xf32>,
    %sub3A_638 = arith.subf %gather3A_633, %gather3A_473 : vector<16xf32>
    %abs3A_639 = math.absf %sub3A_638 : vector<16xf32>
    %sub3A_640 = arith.subf %gather3A_637, %gather3A_483 : vector<16xf32>
    %abs3A_641 = math.absf %sub3A_640 : vector<16xf32>
    %add3A_642 = arith.addf %abs3A_639, %abs3A_641 : vector<16xf32>
    %mul3A_643 = arith.constant 1.000000e-01 : f32
    %mul3A_644 = vector.broadcast %mul3A_643 : f32 to vector<16xf32>
    %mul3A_645 = arith.mulf %mul3A_644, %add3A_642 : vector<16xf32>
    %jit3A_646 = arith.constant 0.000000e+00 : f32
    %broadcast_in_dim3A_647 = vector.broadcast %jit3A_646 : f32 to vector<16xf32>
    %select_n3A_648 = arith.select %lt3A_632, %mul3A_645, %broadcast_in_dim3A_647 : vector<16xi1>, vector<16xf32>
    %add3A_649 = arith.addf %add3A_625, %select_n3A_648 : vector<16xf32>
    %iota3A_650 = tpu.iota {dimensions = array<i32: 0>} : vector<16xi32>
    %add3A_651 = arith.constant 64 : i32
    %add3A_652 = vector.broadcast %add3A_651 : i32 to vector<16xi32>
    %add3A_653 = arith.addi %iota3A_650, %add3A_652 : vector<16xi32>
    %lt3A_654 = arith.constant 100 : i32
    %lt3A_655 = vector.broadcast %lt3A_654 : i32 to vector<16xi32>
    %lt3A_656 = arith.cmpi slt, %add3A_653, %lt3A_655 : vector<16xi32>
    %gather3A_657 = tpu.vector_load_idx %arg8[%add3A_653, %and3A_270] : memref<224x16xf32, #tpu.memory_space<vmem>>[vector<16xi32>, vector<16xi32>], vector<16xf32>,
    %add3A_658 = arith.constant 112 : i32
    %add3A_659 = vector.broadcast %add3A_658 : i32 to vector<16xi32>
    %add3A_660 = arith.addi %add3A_653, %add3A_659 : vector<16xi32>
    %gather3A_661 = tpu.vector_load_idx %arg8[%add3A_660, %and3A_270] : memref<224x16xf32, #tpu.memory_space<vmem>>[vector<16xi32>, vector<16xi32>], vector<16xf32>,
    %sub3A_662 = arith.subf %gather3A_657, %gather3A_497 : vector<16xf32>
    %abs3A_663 = math.absf %sub3A_662 : vector<16xf32>
    %sub3A_664 = arith.subf %gather3A_661, %gather3A_507 : vector<16xf32>
    %abs3A_665 = math.absf %sub3A_664 : vector<16xf32>
    %add3A_666 = arith.addf %abs3A_663, %abs3A_665 : vector<16xf32>
    %mul3A_667 = arith.constant 1.000000e-01 : f32
    %mul3A_668 = vector.broadcast %mul3A_667 : f32 to vector<16xf32>
    %mul3A_669 = arith.mulf %mul3A_668, %add3A_666 : vector<16xf32>
    %jit3A_670 = arith.constant 0.000000e+00 : f32
    %broadcast_in_dim3A_671 = vector.broadcast %jit3A_670 : f32 to vector<16xf32>
    %select_n3A_672 = arith.select %lt3A_656, %mul3A_669, %broadcast_in_dim3A_671 : vector<16xi1>, vector<16xf32>
    %add3A_673 = arith.addf %add3A_649, %select_n3A_672 : vector<16xf32>
    %iota3A_674 = tpu.iota {dimensions = array<i32: 0>} : vector<16xi32>
    %add3A_675 = arith.constant 80 : i32
    %add3A_676 = vector.broadcast %add3A_675 : i32 to vector<16xi32>
    %add3A_677 = arith.addi %iota3A_674, %add3A_676 : vector<16xi32>
    %lt3A_678 = arith.constant 100 : i32
    %lt3A_679 = vector.broadcast %lt3A_678 : i32 to vector<16xi32>
    %lt3A_680 = arith.cmpi slt, %add3A_677, %lt3A_679 : vector<16xi32>
    %gather3A_681 = tpu.vector_load_idx %arg8[%add3A_677, %and3A_326] : memref<224x16xf32, #tpu.memory_space<vmem>>[vector<16xi32>, vector<16xi32>], vector<16xf32>,
    %add3A_682 = arith.constant 112 : i32
    %add3A_683 = vector.broadcast %add3A_682 : i32 to vector<16xi32>
    %add3A_684 = arith.addi %add3A_677, %add3A_683 : vector<16xi32>
    %gather3A_685 = tpu.vector_load_idx %arg8[%add3A_684, %and3A_326] : memref<224x16xf32, #tpu.memory_space<vmem>>[vector<16xi32>, vector<16xi32>], vector<16xf32>,
    %sub3A_686 = arith.subf %gather3A_681, %gather3A_521 : vector<16xf32>
    %abs3A_687 = math.absf %sub3A_686 : vector<16xf32>
    %sub3A_688 = arith.subf %gather3A_685, %gather3A_531 : vector<16xf32>
    %abs3A_689 = math.absf %sub3A_688 : vector<16xf32>
    %add3A_690 = arith.addf %abs3A_687, %abs3A_689 : vector<16xf32>
    %mul3A_691 = arith.constant 1.000000e-01 : f32
    %mul3A_692 = vector.broadcast %mul3A_691 : f32 to vector<16xf32>
    %mul3A_693 = arith.mulf %mul3A_692, %add3A_690 : vector<16xf32>
    %jit3A_694 = arith.constant 0.000000e+00 : f32
    %broadcast_in_dim3A_695 = vector.broadcast %jit3A_694 : f32 to vector<16xf32>
    %select_n3A_696 = arith.select %lt3A_680, %mul3A_693, %broadcast_in_dim3A_695 : vector<16xi1>, vector<16xf32>
    %add3A_697 = arith.addf %add3A_673, %select_n3A_696 : vector<16xf32>
    %iota3A_698 = tpu.iota {dimensions = array<i32: 0>} : vector<16xi32>
    %add3A_699 = arith.constant 96 : i32
    %add3A_700 = vector.broadcast %add3A_699 : i32 to vector<16xi32>
    %add3A_701 = arith.addi %iota3A_698, %add3A_700 : vector<16xi32>
    %lt3A_702 = arith.constant 100 : i32
    %lt3A_703 = vector.broadcast %lt3A_702 : i32 to vector<16xi32>
    %lt3A_704 = arith.cmpi slt, %add3A_701, %lt3A_703 : vector<16xi32>
    %gather3A_705 = tpu.vector_load_idx %arg8[%add3A_701, %and3A_382] : memref<224x16xf32, #tpu.memory_space<vmem>>[vector<16xi32>, vector<16xi32>], vector<16xf32>,
    %add3A_706 = arith.constant 112 : i32
    %add3A_707 = vector.broadcast %add3A_706 : i32 to vector<16xi32>
    %add3A_708 = arith.addi %add3A_701, %add3A_707 : vector<16xi32>
    %gather3A_709 = tpu.vector_load_idx %arg8[%add3A_708, %and3A_382] : memref<224x16xf32, #tpu.memory_space<vmem>>[vector<16xi32>, vector<16xi32>], vector<16xf32>,
    %sub3A_710 = arith.subf %gather3A_705, %gather3A_545 : vector<16xf32>
    %abs3A_711 = math.absf %sub3A_710 : vector<16xf32>
    %sub3A_712 = arith.subf %gather3A_709, %gather3A_555 : vector<16xf32>
    %abs3A_713 = math.absf %sub3A_712 : vector<16xf32>
    %add3A_714 = arith.addf %abs3A_711, %abs3A_713 : vector<16xf32>
    %mul3A_715 = arith.constant 1.000000e-01 : f32
    %mul3A_716 = vector.broadcast %mul3A_715 : f32 to vector<16xf32>
    %mul3A_717 = arith.mulf %mul3A_716, %add3A_714 : vector<16xf32>
    %jit3A_718 = arith.constant 0.000000e+00 : f32
    %broadcast_in_dim3A_719 = vector.broadcast %jit3A_718 : f32 to vector<16xf32>
    %select_n3A_720 = arith.select %lt3A_704, %mul3A_717, %broadcast_in_dim3A_719 : vector<16xi1>, vector<16xf32>
    %add3A_721 = arith.addf %add3A_697, %select_n3A_720 : vector<16xf32>
    %iota3A_722 = tpu.iota {dimensions = array<i32: 0>} : vector<16xi32>
    %add3A_723 = arith.constant 0 : i32
    %add3A_724 = vector.broadcast %add3A_723 : i32 to vector<16xi32>
    %add3A_725 = arith.addi %iota3A_722, %add3A_724 : vector<16xi32>
    %mul3A_726 = arith.constant 6 : i32
    %mul3A_727 = vector.broadcast %mul3A_726 : i32 to vector<16xi32>
    %mul3A_728 = arith.muli %add3A_725, %mul3A_727 : vector<16xi32>
    %add3A_729 = arith.constant 4 : i32
    %add3A_730 = vector.broadcast %add3A_729 : i32 to vector<16xi32>
    %add3A_731 = arith.addi %mul3A_728, %add3A_730 : vector<16xi32>
    %min3A_732 = arith.constant 599 : i32
    %min3A_733 = vector.broadcast %min3A_732 : i32 to vector<16xi32>
    %min3A_734 = arith.minsi %add3A_731, %min3A_733 : vector<16xi32>
    %gather3A_735 = tpu.vector_load_idx %arg6[%min3A_734] : memref<600xf32, #tpu.memory_space<vmem>>[vector<16xi32>], vector<16xf32>,
    %mul3A_736 = arith.constant 6 : i32
    %mul3A_737 = vector.broadcast %mul3A_736 : i32 to vector<16xi32>
    %mul3A_738 = arith.muli %add3A_725, %mul3A_737 : vector<16xi32>
    %add3A_739 = arith.constant 5 : i32
    %add3A_740 = vector.broadcast %add3A_739 : i32 to vector<16xi32>
    %add3A_741 = arith.addi %mul3A_738, %add3A_740 : vector<16xi32>
    %min3A_742 = arith.constant 599 : i32
    %min3A_743 = vector.broadcast %min3A_742 : i32 to vector<16xi32>
    %min3A_744 = arith.minsi %add3A_741, %min3A_743 : vector<16xi32>
    %gather3A_745 = tpu.vector_load_idx %arg6[%min3A_744] : memref<600xf32, #tpu.memory_space<vmem>>[vector<16xi32>], vector<16xf32>,
    %iota3A_746 = tpu.iota {dimensions = array<i32: 0>} : vector<16xi32>
    %add3A_747 = arith.constant 16 : i32
    %add3A_748 = vector.broadcast %add3A_747 : i32 to vector<16xi32>
    %add3A_749 = arith.addi %iota3A_746, %add3A_748 : vector<16xi32>
    %mul3A_750 = arith.constant 6 : i32
    %mul3A_751 = vector.broadcast %mul3A_750 : i32 to vector<16xi32>
    %mul3A_752 = arith.muli %add3A_749, %mul3A_751 : vector<16xi32>
    %add3A_753 = arith.constant 4 : i32
    %add3A_754 = vector.broadcast %add3A_753 : i32 to vector<16xi32>
    %add3A_755 = arith.addi %mul3A_752, %add3A_754 : vector<16xi32>
    %min3A_756 = arith.constant 599 : i32
    %min3A_757 = vector.broadcast %min3A_756 : i32 to vector<16xi32>
    %min3A_758 = arith.minsi %add3A_755, %min3A_757 : vector<16xi32>
    %gather3A_759 = tpu.vector_load_idx %arg6[%min3A_758] : memref<600xf32, #tpu.memory_space<vmem>>[vector<16xi32>], vector<16xf32>,
    %mul3A_760 = arith.constant 6 : i32
    %mul3A_761 = vector.broadcast %mul3A_760 : i32 to vector<16xi32>
    %mul3A_762 = arith.muli %add3A_749, %mul3A_761 : vector<16xi32>
    %add3A_763 = arith.constant 5 : i32
    %add3A_764 = vector.broadcast %add3A_763 : i32 to vector<16xi32>
    %add3A_765 = arith.addi %mul3A_762, %add3A_764 : vector<16xi32>
    %min3A_766 = arith.constant 599 : i32
    %min3A_767 = vector.broadcast %min3A_766 : i32 to vector<16xi32>
    %min3A_768 = arith.minsi %add3A_765, %min3A_767 : vector<16xi32>
    %gather3A_769 = tpu.vector_load_idx %arg6[%min3A_768] : memref<600xf32, #tpu.memory_space<vmem>>[vector<16xi32>], vector<16xf32>,
    %iota3A_770 = tpu.iota {dimensions = array<i32: 0>} : vector<16xi32>
    %add3A_771 = arith.constant 32 : i32
    %add3A_772 = vector.broadcast %add3A_771 : i32 to vector<16xi32>
    %add3A_773 = arith.addi %iota3A_770, %add3A_772 : vector<16xi32>
    %mul3A_774 = arith.constant 6 : i32
    %mul3A_775 = vector.broadcast %mul3A_774 : i32 to vector<16xi32>
    %mul3A_776 = arith.muli %add3A_773, %mul3A_775 : vector<16xi32>
    %add3A_777 = arith.constant 4 : i32
    %add3A_778 = vector.broadcast %add3A_777 : i32 to vector<16xi32>
    %add3A_779 = arith.addi %mul3A_776, %add3A_778 : vector<16xi32>
    %min3A_780 = arith.constant 599 : i32
    %min3A_781 = vector.broadcast %min3A_780 : i32 to vector<16xi32>
    %min3A_782 = arith.minsi %add3A_779, %min3A_781 : vector<16xi32>
    %gather3A_783 = tpu.vector_load_idx %arg6[%min3A_782] : memref<600xf32, #tpu.memory_space<vmem>>[vector<16xi32>], vector<16xf32>,
    %mul3A_784 = arith.constant 6 : i32
    %mul3A_785 = vector.broadcast %mul3A_784 : i32 to vector<16xi32>
    %mul3A_786 = arith.muli %add3A_773, %mul3A_785 : vector<16xi32>
    %add3A_787 = arith.constant 5 : i32
    %add3A_788 = vector.broadcast %add3A_787 : i32 to vector<16xi32>
    %add3A_789 = arith.addi %mul3A_786, %add3A_788 : vector<16xi32>
    %min3A_790 = arith.constant 599 : i32
    %min3A_791 = vector.broadcast %min3A_790 : i32 to vector<16xi32>
    %min3A_792 = arith.minsi %add3A_789, %min3A_791 : vector<16xi32>
    %gather3A_793 = tpu.vector_load_idx %arg6[%min3A_792] : memref<600xf32, #tpu.memory_space<vmem>>[vector<16xi32>], vector<16xf32>,
    %iota3A_794 = tpu.iota {dimensions = array<i32: 0>} : vector<16xi32>
    %add3A_795 = arith.constant 48 : i32
    %add3A_796 = vector.broadcast %add3A_795 : i32 to vector<16xi32>
    %add3A_797 = arith.addi %iota3A_794, %add3A_796 : vector<16xi32>
    %mul3A_798 = arith.constant 6 : i32
    %mul3A_799 = vector.broadcast %mul3A_798 : i32 to vector<16xi32>
    %mul3A_800 = arith.muli %add3A_797, %mul3A_799 : vector<16xi32>
    %add3A_801 = arith.constant 4 : i32
    %add3A_802 = vector.broadcast %add3A_801 : i32 to vector<16xi32>
    %add3A_803 = arith.addi %mul3A_800, %add3A_802 : vector<16xi32>
    %min3A_804 = arith.constant 599 : i32
    %min3A_805 = vector.broadcast %min3A_804 : i32 to vector<16xi32>
    %min3A_806 = arith.minsi %add3A_803, %min3A_805 : vector<16xi32>
    %gather3A_807 = tpu.vector_load_idx %arg6[%min3A_806] : memref<600xf32, #tpu.memory_space<vmem>>[vector<16xi32>], vector<16xf32>,
    %mul3A_808 = arith.constant 6 : i32
    %mul3A_809 = vector.broadcast %mul3A_808 : i32 to vector<16xi32>
    %mul3A_810 = arith.muli %add3A_797, %mul3A_809 : vector<16xi32>
    %add3A_811 = arith.constant 5 : i32
    %add3A_812 = vector.broadcast %add3A_811 : i32 to vector<16xi32>
    %add3A_813 = arith.addi %mul3A_810, %add3A_812 : vector<16xi32>
    %min3A_814 = arith.constant 599 : i32
    %min3A_815 = vector.broadcast %min3A_814 : i32 to vector<16xi32>
    %min3A_816 = arith.minsi %add3A_813, %min3A_815 : vector<16xi32>
    %gather3A_817 = tpu.vector_load_idx %arg6[%min3A_816] : memref<600xf32, #tpu.memory_space<vmem>>[vector<16xi32>], vector<16xf32>,
    %iota3A_818 = tpu.iota {dimensions = array<i32: 0>} : vector<16xi32>
    %add3A_819 = arith.constant 64 : i32
    %add3A_820 = vector.broadcast %add3A_819 : i32 to vector<16xi32>
    %add3A_821 = arith.addi %iota3A_818, %add3A_820 : vector<16xi32>
    %mul3A_822 = arith.constant 6 : i32
    %mul3A_823 = vector.broadcast %mul3A_822 : i32 to vector<16xi32>
    %mul3A_824 = arith.muli %add3A_821, %mul3A_823 : vector<16xi32>
    %add3A_825 = arith.constant 4 : i32
    %add3A_826 = vector.broadcast %add3A_825 : i32 to vector<16xi32>
    %add3A_827 = arith.addi %mul3A_824, %add3A_826 : vector<16xi32>
    %min3A_828 = arith.constant 599 : i32
    %min3A_829 = vector.broadcast %min3A_828 : i32 to vector<16xi32>
    %min3A_830 = arith.minsi %add3A_827, %min3A_829 : vector<16xi32>
    %gather3A_831 = tpu.vector_load_idx %arg6[%min3A_830] : memref<600xf32, #tpu.memory_space<vmem>>[vector<16xi32>], vector<16xf32>,
    %mul3A_832 = arith.constant 6 : i32
    %mul3A_833 = vector.broadcast %mul3A_832 : i32 to vector<16xi32>
    %mul3A_834 = arith.muli %add3A_821, %mul3A_833 : vector<16xi32>
    %add3A_835 = arith.constant 5 : i32
    %add3A_836 = vector.broadcast %add3A_835 : i32 to vector<16xi32>
    %add3A_837 = arith.addi %mul3A_834, %add3A_836 : vector<16xi32>
    %min3A_838 = arith.constant 599 : i32
    %min3A_839 = vector.broadcast %min3A_838 : i32 to vector<16xi32>
    %min3A_840 = arith.minsi %add3A_837, %min3A_839 : vector<16xi32>
    %gather3A_841 = tpu.vector_load_idx %arg6[%min3A_840] : memref<600xf32, #tpu.memory_space<vmem>>[vector<16xi32>], vector<16xf32>,
    %iota3A_842 = tpu.iota {dimensions = array<i32: 0>} : vector<16xi32>
    %add3A_843 = arith.constant 80 : i32
    %add3A_844 = vector.broadcast %add3A_843 : i32 to vector<16xi32>
    %add3A_845 = arith.addi %iota3A_842, %add3A_844 : vector<16xi32>
    %mul3A_846 = arith.constant 6 : i32
    %mul3A_847 = vector.broadcast %mul3A_846 : i32 to vector<16xi32>
    %mul3A_848 = arith.muli %add3A_845, %mul3A_847 : vector<16xi32>
    %add3A_849 = arith.constant 4 : i32
    %add3A_850 = vector.broadcast %add3A_849 : i32 to vector<16xi32>
    %add3A_851 = arith.addi %mul3A_848, %add3A_850 : vector<16xi32>
    %min3A_852 = arith.constant 599 : i32
    %min3A_853 = vector.broadcast %min3A_852 : i32 to vector<16xi32>
    %min3A_854 = arith.minsi %add3A_851, %min3A_853 : vector<16xi32>
    %gather3A_855 = tpu.vector_load_idx %arg6[%min3A_854] : memref<600xf32, #tpu.memory_space<vmem>>[vector<16xi32>], vector<16xf32>,
    %mul3A_856 = arith.constant 6 : i32
    %mul3A_857 = vector.broadcast %mul3A_856 : i32 to vector<16xi32>
    %mul3A_858 = arith.muli %add3A_845, %mul3A_857 : vector<16xi32>
    %add3A_859 = arith.constant 5 : i32
    %add3A_860 = vector.broadcast %add3A_859 : i32 to vector<16xi32>
    %add3A_861 = arith.addi %mul3A_858, %add3A_860 : vector<16xi32>
    %min3A_862 = arith.constant 599 : i32
    %min3A_863 = vector.broadcast %min3A_862 : i32 to vector<16xi32>
    %min3A_864 = arith.minsi %add3A_861, %min3A_863 : vector<16xi32>
    %gather3A_865 = tpu.vector_load_idx %arg6[%min3A_864] : memref<600xf32, #tpu.memory_space<vmem>>[vector<16xi32>], vector<16xf32>,
    %iota3A_866 = tpu.iota {dimensions = array<i32: 0>} : vector<16xi32>
    %add3A_867 = arith.constant 96 : i32
    %add3A_868 = vector.broadcast %add3A_867 : i32 to vector<16xi32>
    %add3A_869 = arith.addi %iota3A_866, %add3A_868 : vector<16xi32>
    %mul3A_870 = arith.constant 6 : i32
    %mul3A_871 = vector.broadcast %mul3A_870 : i32 to vector<16xi32>
    %mul3A_872 = arith.muli %add3A_869, %mul3A_871 : vector<16xi32>
    %add3A_873 = arith.constant 4 : i32
    %add3A_874 = vector.broadcast %add3A_873 : i32 to vector<16xi32>
    %add3A_875 = arith.addi %mul3A_872, %add3A_874 : vector<16xi32>
    %min3A_876 = arith.constant 599 : i32
    %min3A_877 = vector.broadcast %min3A_876 : i32 to vector<16xi32>
    %min3A_878 = arith.minsi %add3A_875, %min3A_877 : vector<16xi32>
    %gather3A_879 = tpu.vector_load_idx %arg6[%min3A_878] : memref<600xf32, #tpu.memory_space<vmem>>[vector<16xi32>], vector<16xf32>,
    %mul3A_880 = arith.constant 6 : i32
    %mul3A_881 = vector.broadcast %mul3A_880 : i32 to vector<16xi32>
    %mul3A_882 = arith.muli %add3A_869, %mul3A_881 : vector<16xi32>
    %add3A_883 = arith.constant 5 : i32
    %add3A_884 = vector.broadcast %add3A_883 : i32 to vector<16xi32>
    %add3A_885 = arith.addi %mul3A_882, %add3A_884 : vector<16xi32>
    %min3A_886 = arith.constant 599 : i32
    %min3A_887 = vector.broadcast %min3A_886 : i32 to vector<16xi32>
    %min3A_888 = arith.minsi %add3A_885, %min3A_887 : vector<16xi32>
    %gather3A_889 = tpu.vector_load_idx %arg6[%min3A_888] : memref<600xf32, #tpu.memory_space<vmem>>[vector<16xi32>], vector<16xf32>,
    %dma_wait3A_890 = arith.constant 0 : i32
    %dma_wait3A_891 = arith.constant 0 : i32
    %dma_wait3A_892 = tpu.memref_slice %arg3[%dma_wait3A_890, %dma_wait3A_891] : memref<32768x16xf32, #tpu.memory_space<hbm>> -> memref<32768x16xf32, #tpu.memory_space<hbm>>
    tpu.wait_indirect_dma semaphore(%arg15 : memref<!tpu.dma_semaphore, #tpu.memory_space<semaphore_mem>>) src(%dma_wait3A_892 : memref<32768x16xf32, #tpu.memory_space<hbm>>) dst(%arg9 : memref<224x16xf32, #tpu.memory_space<vmem>>)
    %iota3A_893 = tpu.iota {dimensions = array<i32: 0>} : vector<16xi32>
    %add3A_894 = arith.constant 0 : i32
    %add3A_895 = vector.broadcast %add3A_894 : i32 to vector<16xi32>
    %add3A_896 = arith.addi %iota3A_893, %add3A_895 : vector<16xi32>
    %lt3A_897 = arith.constant 100 : i32
    %lt3A_898 = vector.broadcast %lt3A_897 : i32 to vector<16xi32>
    %lt3A_899 = arith.cmpi slt, %add3A_896, %lt3A_898 : vector<16xi32>
    %gather3A_900 = tpu.vector_load_idx %arg9[%add3A_896, %and3A_46] : memref<224x16xf32, #tpu.memory_space<vmem>>[vector<16xi32>, vector<16xi32>], vector<16xf32>,
    %add3A_901 = arith.constant 112 : i32
    %add3A_902 = vector.broadcast %add3A_901 : i32 to vector<16xi32>
    %add3A_903 = arith.addi %add3A_896, %add3A_902 : vector<16xi32>
    %gather3A_904 = tpu.vector_load_idx %arg9[%add3A_903, %and3A_46] : memref<224x16xf32, #tpu.memory_space<vmem>>[vector<16xi32>, vector<16xi32>], vector<16xf32>,
    %sub3A_905 = arith.subf %gather3A_900, %gather3A_735 : vector<16xf32>
    %abs3A_906 = math.absf %sub3A_905 : vector<16xf32>
    %sub3A_907 = arith.subf %gather3A_904, %gather3A_745 : vector<16xf32>
    %abs3A_908 = math.absf %sub3A_907 : vector<16xf32>
    %add3A_909 = arith.addf %abs3A_906, %abs3A_908 : vector<16xf32>
    %mul3A_910 = arith.constant 1.000000e+00 : f32
    %mul3A_911 = vector.broadcast %mul3A_910 : f32 to vector<16xf32>
    %mul3A_912 = arith.mulf %mul3A_911, %add3A_909 : vector<16xf32>
    %jit3A_913 = arith.constant 0.000000e+00 : f32
    %broadcast_in_dim3A_914 = vector.broadcast %jit3A_913 : f32 to vector<16xf32>
    %select_n3A_915 = arith.select %lt3A_899, %mul3A_912, %broadcast_in_dim3A_914 : vector<16xi1>, vector<16xf32>
    %add3A_916 = arith.addf %add3A_721, %select_n3A_915 : vector<16xf32>
    %iota3A_917 = tpu.iota {dimensions = array<i32: 0>} : vector<16xi32>
    %add3A_918 = arith.constant 16 : i32
    %add3A_919 = vector.broadcast %add3A_918 : i32 to vector<16xi32>
    %add3A_920 = arith.addi %iota3A_917, %add3A_919 : vector<16xi32>
    %lt3A_921 = arith.constant 100 : i32
    %lt3A_922 = vector.broadcast %lt3A_921 : i32 to vector<16xi32>
    %lt3A_923 = arith.cmpi slt, %add3A_920, %lt3A_922 : vector<16xi32>
    %gather3A_924 = tpu.vector_load_idx %arg9[%add3A_920, %and3A_102] : memref<224x16xf32, #tpu.memory_space<vmem>>[vector<16xi32>, vector<16xi32>], vector<16xf32>,
    %add3A_925 = arith.constant 112 : i32
    %add3A_926 = vector.broadcast %add3A_925 : i32 to vector<16xi32>
    %add3A_927 = arith.addi %add3A_920, %add3A_926 : vector<16xi32>
    %gather3A_928 = tpu.vector_load_idx %arg9[%add3A_927, %and3A_102] : memref<224x16xf32, #tpu.memory_space<vmem>>[vector<16xi32>, vector<16xi32>], vector<16xf32>,
    %sub3A_929 = arith.subf %gather3A_924, %gather3A_759 : vector<16xf32>
    %abs3A_930 = math.absf %sub3A_929 : vector<16xf32>
    %sub3A_931 = arith.subf %gather3A_928, %gather3A_769 : vector<16xf32>
    %abs3A_932 = math.absf %sub3A_931 : vector<16xf32>
    %add3A_933 = arith.addf %abs3A_930, %abs3A_932 : vector<16xf32>
    %mul3A_934 = arith.constant 1.000000e+00 : f32
    %mul3A_935 = vector.broadcast %mul3A_934 : f32 to vector<16xf32>
    %mul3A_936 = arith.mulf %mul3A_935, %add3A_933 : vector<16xf32>
    %jit3A_937 = arith.constant 0.000000e+00 : f32
    %broadcast_in_dim3A_938 = vector.broadcast %jit3A_937 : f32 to vector<16xf32>
    %select_n3A_939 = arith.select %lt3A_923, %mul3A_936, %broadcast_in_dim3A_938 : vector<16xi1>, vector<16xf32>
    %add3A_940 = arith.addf %add3A_916, %select_n3A_939 : vector<16xf32>
    %iota3A_941 = tpu.iota {dimensions = array<i32: 0>} : vector<16xi32>
    %add3A_942 = arith.constant 32 : i32
    %add3A_943 = vector.broadcast %add3A_942 : i32 to vector<16xi32>
    %add3A_944 = arith.addi %iota3A_941, %add3A_943 : vector<16xi32>
    %lt3A_945 = arith.constant 100 : i32
    %lt3A_946 = vector.broadcast %lt3A_945 : i32 to vector<16xi32>
    %lt3A_947 = arith.cmpi slt, %add3A_944, %lt3A_946 : vector<16xi32>
    %gather3A_948 = tpu.vector_load_idx %arg9[%add3A_944, %and3A_158] : memref<224x16xf32, #tpu.memory_space<vmem>>[vector<16xi32>, vector<16xi32>], vector<16xf32>,
    %add3A_949 = arith.constant 112 : i32
    %add3A_950 = vector.broadcast %add3A_949 : i32 to vector<16xi32>
    %add3A_951 = arith.addi %add3A_944, %add3A_950 : vector<16xi32>
    %gather3A_952 = tpu.vector_load_idx %arg9[%add3A_951, %and3A_158] : memref<224x16xf32, #tpu.memory_space<vmem>>[vector<16xi32>, vector<16xi32>], vector<16xf32>,
    %sub3A_953 = arith.subf %gather3A_948, %gather3A_783 : vector<16xf32>
    %abs3A_954 = math.absf %sub3A_953 : vector<16xf32>
    %sub3A_955 = arith.subf %gather3A_952, %gather3A_793 : vector<16xf32>
    %abs3A_956 = math.absf %sub3A_955 : vector<16xf32>
    %add3A_957 = arith.addf %abs3A_954, %abs3A_956 : vector<16xf32>
    %mul3A_958 = arith.constant 1.000000e+00 : f32
    %mul3A_959 = vector.broadcast %mul3A_958 : f32 to vector<16xf32>
    %mul3A_960 = arith.mulf %mul3A_959, %add3A_957 : vector<16xf32>
    %jit3A_961 = arith.constant 0.000000e+00 : f32
    %broadcast_in_dim3A_962 = vector.broadcast %jit3A_961 : f32 to vector<16xf32>
    %select_n3A_963 = arith.select %lt3A_947, %mul3A_960, %broadcast_in_dim3A_962 : vector<16xi1>, vector<16xf32>
    %add3A_964 = arith.addf %add3A_940, %select_n3A_963 : vector<16xf32>
    %iota3A_965 = tpu.iota {dimensions = array<i32: 0>} : vector<16xi32>
    %add3A_966 = arith.constant 48 : i32
    %add3A_967 = vector.broadcast %add3A_966 : i32 to vector<16xi32>
    %add3A_968 = arith.addi %iota3A_965, %add3A_967 : vector<16xi32>
    %lt3A_969 = arith.constant 100 : i32
    %lt3A_970 = vector.broadcast %lt3A_969 : i32 to vector<16xi32>
    %lt3A_971 = arith.cmpi slt, %add3A_968, %lt3A_970 : vector<16xi32>
    %gather3A_972 = tpu.vector_load_idx %arg9[%add3A_968, %and3A_214] : memref<224x16xf32, #tpu.memory_space<vmem>>[vector<16xi32>, vector<16xi32>], vector<16xf32>,
    %add3A_973 = arith.constant 112 : i32
    %add3A_974 = vector.broadcast %add3A_973 : i32 to vector<16xi32>
    %add3A_975 = arith.addi %add3A_968, %add3A_974 : vector<16xi32>
    %gather3A_976 = tpu.vector_load_idx %arg9[%add3A_975, %and3A_214] : memref<224x16xf32, #tpu.memory_space<vmem>>[vector<16xi32>, vector<16xi32>], vector<16xf32>,
    %sub3A_977 = arith.subf %gather3A_972, %gather3A_807 : vector<16xf32>
    %abs3A_978 = math.absf %sub3A_977 : vector<16xf32>
    %sub3A_979 = arith.subf %gather3A_976, %gather3A_817 : vector<16xf32>
    %abs3A_980 = math.absf %sub3A_979 : vector<16xf32>
    %add3A_981 = arith.addf %abs3A_978, %abs3A_980 : vector<16xf32>
    %mul3A_982 = arith.constant 1.000000e+00 : f32
    %mul3A_983 = vector.broadcast %mul3A_982 : f32 to vector<16xf32>
    %mul3A_984 = arith.mulf %mul3A_983, %add3A_981 : vector<16xf32>
    %jit3A_985 = arith.constant 0.000000e+00 : f32
    %broadcast_in_dim3A_986 = vector.broadcast %jit3A_985 : f32 to vector<16xf32>
    %select_n3A_987 = arith.select %lt3A_971, %mul3A_984, %broadcast_in_dim3A_986 : vector<16xi1>, vector<16xf32>
    %add3A_988 = arith.addf %add3A_964, %select_n3A_987 : vector<16xf32>
    %iota3A_989 = tpu.iota {dimensions = array<i32: 0>} : vector<16xi32>
    %add3A_990 = arith.constant 64 : i32
    %add3A_991 = vector.broadcast %add3A_990 : i32 to vector<16xi32>
    %add3A_992 = arith.addi %iota3A_989, %add3A_991 : vector<16xi32>
    %lt3A_993 = arith.constant 100 : i32
    %lt3A_994 = vector.broadcast %lt3A_993 : i32 to vector<16xi32>
    %lt3A_995 = arith.cmpi slt, %add3A_992, %lt3A_994 : vector<16xi32>
    %gather3A_996 = tpu.vector_load_idx %arg9[%add3A_992, %and3A_270] : memref<224x16xf32, #tpu.memory_space<vmem>>[vector<16xi32>, vector<16xi32>], vector<16xf32>,
    %add3A_997 = arith.constant 112 : i32
    %add3A_998 = vector.broadcast %add3A_997 : i32 to vector<16xi32>
    %add3A_999 = arith.addi %add3A_992, %add3A_998 : vector<16xi32>
    %gather3A_1000 = tpu.vector_load_idx %arg9[%add3A_999, %and3A_270] : memref<224x16xf32, #tpu.memory_space<vmem>>[vector<16xi32>, vector<16xi32>], vector<16xf32>,
    %sub3A_1001 = arith.subf %gather3A_996, %gather3A_831 : vector<16xf32>
    %abs3A_1002 = math.absf %sub3A_1001 : vector<16xf32>
    %sub3A_1003 = arith.subf %gather3A_1000, %gather3A_841 : vector<16xf32>
    %abs3A_1004 = math.absf %sub3A_1003 : vector<16xf32>
    %add3A_1005 = arith.addf %abs3A_1002, %abs3A_1004 : vector<16xf32>
    %mul3A_1006 = arith.constant 1.000000e+00 : f32
    %mul3A_1007 = vector.broadcast %mul3A_1006 : f32 to vector<16xf32>
    %mul3A_1008 = arith.mulf %mul3A_1007, %add3A_1005 : vector<16xf32>
    %jit3A_1009 = arith.constant 0.000000e+00 : f32
    %broadcast_in_dim3A_1010 = vector.broadcast %jit3A_1009 : f32 to vector<16xf32>
    %select_n3A_1011 = arith.select %lt3A_995, %mul3A_1008, %broadcast_in_dim3A_1010 : vector<16xi1>, vector<16xf32>
    %add3A_1012 = arith.addf %add3A_988, %select_n3A_1011 : vector<16xf32>
    %iota3A_1013 = tpu.iota {dimensions = array<i32: 0>} : vector<16xi32>
    %add3A_1014 = arith.constant 80 : i32
    %add3A_1015 = vector.broadcast %add3A_1014 : i32 to vector<16xi32>
    %add3A_1016 = arith.addi %iota3A_1013, %add3A_1015 : vector<16xi32>
    %lt3A_1017 = arith.constant 100 : i32
    %lt3A_1018 = vector.broadcast %lt3A_1017 : i32 to vector<16xi32>
    %lt3A_1019 = arith.cmpi slt, %add3A_1016, %lt3A_1018 : vector<16xi32>
    %gather3A_1020 = tpu.vector_load_idx %arg9[%add3A_1016, %and3A_326] : memref<224x16xf32, #tpu.memory_space<vmem>>[vector<16xi32>, vector<16xi32>], vector<16xf32>,
    %add3A_1021 = arith.constant 112 : i32
    %add3A_1022 = vector.broadcast %add3A_1021 : i32 to vector<16xi32>
    %add3A_1023 = arith.addi %add3A_1016, %add3A_1022 : vector<16xi32>
    %gather3A_1024 = tpu.vector_load_idx %arg9[%add3A_1023, %and3A_326] : memref<224x16xf32, #tpu.memory_space<vmem>>[vector<16xi32>, vector<16xi32>], vector<16xf32>,
    %sub3A_1025 = arith.subf %gather3A_1020, %gather3A_855 : vector<16xf32>
    %abs3A_1026 = math.absf %sub3A_1025 : vector<16xf32>
    %sub3A_1027 = arith.subf %gather3A_1024, %gather3A_865 : vector<16xf32>
    %abs3A_1028 = math.absf %sub3A_1027 : vector<16xf32>
    %add3A_1029 = arith.addf %abs3A_1026, %abs3A_1028 : vector<16xf32>
    %mul3A_1030 = arith.constant 1.000000e+00 : f32
    %mul3A_1031 = vector.broadcast %mul3A_1030 : f32 to vector<16xf32>
    %mul3A_1032 = arith.mulf %mul3A_1031, %add3A_1029 : vector<16xf32>
    %jit3A_1033 = arith.constant 0.000000e+00 : f32
    %broadcast_in_dim3A_1034 = vector.broadcast %jit3A_1033 : f32 to vector<16xf32>
    %select_n3A_1035 = arith.select %lt3A_1019, %mul3A_1032, %broadcast_in_dim3A_1034 : vector<16xi1>, vector<16xf32>
    %add3A_1036 = arith.addf %add3A_1012, %select_n3A_1035 : vector<16xf32>
    %iota3A_1037 = tpu.iota {dimensions = array<i32: 0>} : vector<16xi32>
    %add3A_1038 = arith.constant 96 : i32
    %add3A_1039 = vector.broadcast %add3A_1038 : i32 to vector<16xi32>
    %add3A_1040 = arith.addi %iota3A_1037, %add3A_1039 : vector<16xi32>
    %lt3A_1041 = arith.constant 100 : i32
    %lt3A_1042 = vector.broadcast %lt3A_1041 : i32 to vector<16xi32>
    %lt3A_1043 = arith.cmpi slt, %add3A_1040, %lt3A_1042 : vector<16xi32>
    %gather3A_1044 = tpu.vector_load_idx %arg9[%add3A_1040, %and3A_382] : memref<224x16xf32, #tpu.memory_space<vmem>>[vector<16xi32>, vector<16xi32>], vector<16xf32>,
    %add3A_1045 = arith.constant 112 : i32
    %add3A_1046 = vector.broadcast %add3A_1045 : i32 to vector<16xi32>
    %add3A_1047 = arith.addi %add3A_1040, %add3A_1046 : vector<16xi32>
    %gather3A_1048 = tpu.vector_load_idx %arg9[%add3A_1047, %and3A_382] : memref<224x16xf32, #tpu.memory_space<vmem>>[vector<16xi32>, vector<16xi32>], vector<16xf32>,
    %sub3A_1049 = arith.subf %gather3A_1044, %gather3A_879 : vector<16xf32>
    %abs3A_1050 = math.absf %sub3A_1049 : vector<16xf32>
    %sub3A_1051 = arith.subf %gather3A_1048, %gather3A_889 : vector<16xf32>
    %abs3A_1052 = math.absf %sub3A_1051 : vector<16xf32>
    %add3A_1053 = arith.addf %abs3A_1050, %abs3A_1052 : vector<16xf32>
    %mul3A_1054 = arith.constant 1.000000e+00 : f32
    %mul3A_1055 = vector.broadcast %mul3A_1054 : f32 to vector<16xf32>
    %mul3A_1056 = arith.mulf %mul3A_1055, %add3A_1053 : vector<16xf32>
    %jit3A_1057 = arith.constant 0.000000e+00 : f32
    %broadcast_in_dim3A_1058 = vector.broadcast %jit3A_1057 : f32 to vector<16xf32>
    %select_n3A_1059 = arith.select %lt3A_1043, %mul3A_1056, %broadcast_in_dim3A_1058 : vector<16xi1>, vector<16xf32>
    %add3A_1060 = arith.addf %add3A_1036, %select_n3A_1059 : vector<16xf32>
    %swap3A_1061 = arith.constant 0 : index
    %swap3A_1062 = tpu.vector_load %arg10[%swap3A_1061] {strides = array<i32>} : memref<16xf32, #tpu.memory_space<vmem>>, vector<16xf32>,
    tpu.vector_store %arg10[%swap3A_1061], %add3A_1060 {strides = array<i32>} : memref<16xf32, #tpu.memory_space<vmem>>, vector<16xf32>,
    "tpu.region"() ({
      %run_scoped3A = tpu.sem_alloc : memref<!tpu.dma_semaphore, #tpu.memory_space<semaphore_mem>>
      %dma_start3A_1066 = arith.constant 0 : i32
      %dma_start3A_1067 = tpu.memref_slice %arg13[%arg1, %dma_start3A_1066] : memref<16x16xf32, #tpu.memory_space<vmem_shared>> -> memref<1x16xf32, #tpu.memory_space<vmem_shared>>
      %dma_start3A_1068 = tpu.memref_squeeze %dma_start3A_1067 : memref<1x16xf32, #tpu.memory_space<vmem_shared>> -> memref<16xf32, #tpu.memory_space<vmem_shared>>
      %dma_start3A_1069 = arith.constant 0 : i32
      %dma_start3A_1070 = tpu.memref_slice %arg13[%arg1, %dma_start3A_1069] : memref<16x16xf32, #tpu.memory_space<vmem_shared>> -> memref<1x16xf32, #tpu.memory_space<vmem_shared>>
      %dma_start3A_1071 = tpu.memref_squeeze %dma_start3A_1070 : memref<1x16xf32, #tpu.memory_space<vmem_shared>> -> memref<16xf32, #tpu.memory_space<vmem_shared>>
      tpu.enqueue_dma source(%arg10 : memref<16xf32, #tpu.memory_space<vmem>>) target(%dma_start3A_1071 : memref<16xf32, #tpu.memory_space<vmem_shared>>) target_semaphore(%run_scoped3A : memref<!tpu.dma_semaphore, #tpu.memory_space<semaphore_mem>>)
      %dma_wait3A_1072 = arith.constant 0 : i32
      %dma_wait3A_1073 = tpu.memref_slice %arg13[%arg1, %dma_wait3A_1072] : memref<16x16xf32, #tpu.memory_space<vmem_shared>> -> memref<1x16xf32, #tpu.memory_space<vmem_shared>>
      %dma_wait3A_1074 = tpu.memref_squeeze %dma_wait3A_1073 : memref<1x16xf32, #tpu.memory_space<vmem_shared>> -> memref<16xf32, #tpu.memory_space<vmem_shared>>
      %dma_wait3A_1075 = arith.constant 0 : i32
      %dma_wait3A_1076 = tpu.memref_slice %arg13[%arg1, %dma_wait3A_1075] : memref<16x16xf32, #tpu.memory_space<vmem_shared>> -> memref<1x16xf32, #tpu.memory_space<vmem_shared>>
      %dma_wait3A_1077 = tpu.memref_squeeze %dma_wait3A_1076 : memref<1x16xf32, #tpu.memory_space<vmem_shared>> -> memref<16xf32, #tpu.memory_space<vmem_shared>>
      tpu.wait_dma2 semaphore(%run_scoped3A : memref<!tpu.dma_semaphore, #tpu.memory_space<semaphore_mem>>) src(%arg10 : memref<16xf32, #tpu.memory_space<vmem>>) dst(%dma_wait3A_1077 : memref<16xf32, #tpu.memory_space<vmem_shared>>)
      tpu.yield
    }) : () -> ()
    %barrier3A = arith.constant 0 : index
    tpu.barrier barrier_id(%barrier3A)
    %eq3A = arith.constant 0 : i32
    %eq3A_1063 = arith.cmpi eq, %arg1, %eq3A : i32
    %convert_element_type3A_1064 = arith.extui %eq3A_1063 : i1 to i32
    %cond3A = arith.constant 0 : i32
    %cond3A_1065 = arith.cmpi ne, %convert_element_type3A_1064, %cond3A : i32
    scf.if %cond3A_1065 {
      "tpu.region"() ({
        %run_scoped3A = tpu.sem_alloc : memref<!tpu.dma_semaphore, #tpu.memory_space<semaphore_mem>>
        tpu.enqueue_dma source(%arg13 : memref<16x16xf32, #tpu.memory_space<vmem_shared>>) target(%arg11 : memref<16x16xf32, #tpu.memory_space<vmem>>) target_semaphore(%run_scoped3A : memref<!tpu.dma_semaphore, #tpu.memory_space<semaphore_mem>>)
        tpu.wait_dma2 semaphore(%run_scoped3A : memref<!tpu.dma_semaphore, #tpu.memory_space<semaphore_mem>>) src(%arg13 : memref<16x16xf32, #tpu.memory_space<vmem_shared>>) dst(%arg11 : memref<16x16xf32, #tpu.memory_space<vmem>>)
        tpu.yield
      }) : () -> ()
      %get3A = arith.constant 0 : i32
      %get3A_1066 = arith.index_cast %get3A : i32 to index
      %get3A_1067 = arith.constant 0 : index
      %get3A_1068 = tpu.vector_load %arg11[%get3A_1066, %get3A_1067] {strides = array<i32>} : memref<16x16xf32, #tpu.memory_space<vmem>>, vector<16xf32>,
      %get3A_1069 = arith.constant 1 : i32
      %get3A_1070 = arith.index_cast %get3A_1069 : i32 to index
      %get3A_1071 = arith.constant 0 : index
      %get3A_1072 = tpu.vector_load %arg11[%get3A_1070, %get3A_1071] {strides = array<i32>} : memref<16x16xf32, #tpu.memory_space<vmem>>, vector<16xf32>,
      %add3A_1073 = arith.addf %get3A_1068, %get3A_1072 : vector<16xf32>
      %get3A_1074 = arith.constant 2 : i32
      %get3A_1075 = arith.index_cast %get3A_1074 : i32 to index
      %get3A_1076 = arith.constant 0 : index
      %get3A_1077 = tpu.vector_load %arg11[%get3A_1075, %get3A_1076] {strides = array<i32>} : memref<16x16xf32, #tpu.memory_space<vmem>>, vector<16xf32>,
      %add3A_1078 = arith.addf %add3A_1073, %get3A_1077 : vector<16xf32>
      %get3A_1079 = arith.constant 3 : i32
      %get3A_1080 = arith.index_cast %get3A_1079 : i32 to index
      %get3A_1081 = arith.constant 0 : index
      %get3A_1082 = tpu.vector_load %arg11[%get3A_1080, %get3A_1081] {strides = array<i32>} : memref<16x16xf32, #tpu.memory_space<vmem>>, vector<16xf32>,
      %add3A_1083 = arith.addf %add3A_1078, %get3A_1082 : vector<16xf32>
      %get3A_1084 = arith.constant 4 : i32
      %get3A_1085 = arith.index_cast %get3A_1084 : i32 to index
      %get3A_1086 = arith.constant 0 : index
      %get3A_1087 = tpu.vector_load %arg11[%get3A_1085, %get3A_1086] {strides = array<i32>} : memref<16x16xf32, #tpu.memory_space<vmem>>, vector<16xf32>,
      %add3A_1088 = arith.addf %add3A_1083, %get3A_1087 : vector<16xf32>
      %get3A_1089 = arith.constant 5 : i32
      %get3A_1090 = arith.index_cast %get3A_1089 : i32 to index
      %get3A_1091 = arith.constant 0 : index
      %get3A_1092 = tpu.vector_load %arg11[%get3A_1090, %get3A_1091] {strides = array<i32>} : memref<16x16xf32, #tpu.memory_space<vmem>>, vector<16xf32>,
      %add3A_1093 = arith.addf %add3A_1088, %get3A_1092 : vector<16xf32>
      %get3A_1094 = arith.constant 6 : i32
      %get3A_1095 = arith.index_cast %get3A_1094 : i32 to index
      %get3A_1096 = arith.constant 0 : index
      %get3A_1097 = tpu.vector_load %arg11[%get3A_1095, %get3A_1096] {strides = array<i32>} : memref<16x16xf32, #tpu.memory_space<vmem>>, vector<16xf32>,
      %add3A_1098 = arith.addf %add3A_1093, %get3A_1097 : vector<16xf32>
      %get3A_1099 = arith.constant 7 : i32
      %get3A_1100 = arith.index_cast %get3A_1099 : i32 to index
      %get3A_1101 = arith.constant 0 : index
      %get3A_1102 = tpu.vector_load %arg11[%get3A_1100, %get3A_1101] {strides = array<i32>} : memref<16x16xf32, #tpu.memory_space<vmem>>, vector<16xf32>,
      %add3A_1103 = arith.addf %add3A_1098, %get3A_1102 : vector<16xf32>
      %get3A_1104 = arith.constant 8 : i32
      %get3A_1105 = arith.index_cast %get3A_1104 : i32 to index
      %get3A_1106 = arith.constant 0 : index
      %get3A_1107 = tpu.vector_load %arg11[%get3A_1105, %get3A_1106] {strides = array<i32>} : memref<16x16xf32, #tpu.memory_space<vmem>>, vector<16xf32>,
      %add3A_1108 = arith.addf %add3A_1103, %get3A_1107 : vector<16xf32>
      %get3A_1109 = arith.constant 9 : i32
      %get3A_1110 = arith.index_cast %get3A_1109 : i32 to index
      %get3A_1111 = arith.constant 0 : index
      %get3A_1112 = tpu.vector_load %arg11[%get3A_1110, %get3A_1111] {strides = array<i32>} : memref<16x16xf32, #tpu.memory_space<vmem>>, vector<16xf32>,
      %add3A_1113 = arith.addf %add3A_1108, %get3A_1112 : vector<16xf32>
      %get3A_1114 = arith.constant 10 : i32
      %get3A_1115 = arith.index_cast %get3A_1114 : i32 to index
      %get3A_1116 = arith.constant 0 : index
      %get3A_1117 = tpu.vector_load %arg11[%get3A_1115, %get3A_1116] {strides = array<i32>} : memref<16x16xf32, #tpu.memory_space<vmem>>, vector<16xf32>,
      %add3A_1118 = arith.addf %add3A_1113, %get3A_1117 : vector<16xf32>
      %get3A_1119 = arith.constant 11 : i32
      %get3A_1120 = arith.index_cast %get3A_1119 : i32 to index
      %get3A_1121 = arith.constant 0 : index
      %get3A_1122 = tpu.vector_load %arg11[%get3A_1120, %get3A_1121] {strides = array<i32>} : memref<16x16xf32, #tpu.memory_space<vmem>>, vector<16xf32>,
      %add3A_1123 = arith.addf %add3A_1118, %get3A_1122 : vector<16xf32>
      %get3A_1124 = arith.constant 12 : i32
      %get3A_1125 = arith.index_cast %get3A_1124 : i32 to index
      %get3A_1126 = arith.constant 0 : index
      %get3A_1127 = tpu.vector_load %arg11[%get3A_1125, %get3A_1126] {strides = array<i32>} : memref<16x16xf32, #tpu.memory_space<vmem>>, vector<16xf32>,
      %add3A_1128 = arith.addf %add3A_1123, %get3A_1127 : vector<16xf32>
      %get3A_1129 = arith.constant 13 : i32
      %get3A_1130 = arith.index_cast %get3A_1129 : i32 to index
      %get3A_1131 = arith.constant 0 : index
      %get3A_1132 = tpu.vector_load %arg11[%get3A_1130, %get3A_1131] {strides = array<i32>} : memref<16x16xf32, #tpu.memory_space<vmem>>, vector<16xf32>,
      %add3A_1133 = arith.addf %add3A_1128, %get3A_1132 : vector<16xf32>
      %get3A_1134 = arith.constant 14 : i32
      %get3A_1135 = arith.index_cast %get3A_1134 : i32 to index
      %get3A_1136 = arith.constant 0 : index
      %get3A_1137 = tpu.vector_load %arg11[%get3A_1135, %get3A_1136] {strides = array<i32>} : memref<16x16xf32, #tpu.memory_space<vmem>>, vector<16xf32>,
      %add3A_1138 = arith.addf %add3A_1133, %get3A_1137 : vector<16xf32>
      %get3A_1139 = arith.constant 15 : i32
      %get3A_1140 = arith.index_cast %get3A_1139 : i32 to index
      %get3A_1141 = arith.constant 0 : index
      %get3A_1142 = tpu.vector_load %arg11[%get3A_1140, %get3A_1141] {strides = array<i32>} : memref<16x16xf32, #tpu.memory_space<vmem>>, vector<16xf32>,
      %add3A_1143 = arith.addf %add3A_1138, %get3A_1142 : vector<16xf32>
      %reduce_sum3A = arith.constant true
      %reduce_sum3A_1144 = vector.broadcast %reduce_sum3A : i1 to vector<16xi1>
      %reduce_sum3A_1145 = tpu.scan <sum>, %add3A_1143 masked %reduce_sum3A_1144 : vector<16xf32>, vector<16xi1> -> vector<16xf32>
      %reduce_sum3A_1146 = vector.extract %reduce_sum3A_1145[15] : f32 from vector<16xf32>
      %mul3A_1147 = arith.constant 3.125000e-04 : f32
      %mul3A_1148 = arith.mulf %reduce_sum3A_1146, %mul3A_1147 : f32
      %broadcast_in_dim3A_1149 = vector.broadcast %mul3A_1148 : f32 to vector<16xf32>
      %iota3A_1150 = tpu.iota {dimensions = array<i32: 0>} : vector<16xi32>
      %eq3A_1151 = arith.constant 0 : i32
      %eq3A_1152 = vector.broadcast %eq3A_1151 : i32 to vector<16xi32>
      %eq3A_1153 = arith.cmpi eq, %iota3A_1150, %eq3A_1152 : vector<16xi32>
      %broadcast_in_dim3A_1154 = arith.constant 0 : i32
      %broadcast_in_dim3A_1155 = vector.broadcast %broadcast_in_dim3A_1154 : i32 to vector<16xi32>
      tpu.vector_store_idx %arg12[%broadcast_in_dim3A_1155], %broadcast_in_dim3A_1149 masked %eq3A_1153 : memref<1xf32, #tpu.memory_space<vmem>>[vector<16xi32>], vector<16xf32>, vector<16xi1>
      "tpu.region"() ({
        %run_scoped3A = tpu.sem_alloc : memref<!tpu.dma_semaphore, #tpu.memory_space<semaphore_mem>>
        tpu.enqueue_dma source(%arg12 : memref<1xf32, #tpu.memory_space<vmem>>) target(%arg5 : memref<1xf32, #tpu.memory_space<hbm>>) target_semaphore(%run_scoped3A : memref<!tpu.dma_semaphore, #tpu.memory_space<semaphore_mem>>)
        tpu.wait_dma2 semaphore(%run_scoped3A : memref<!tpu.dma_semaphore, #tpu.memory_space<semaphore_mem>>) src(%arg12 : memref<1xf32, #tpu.memory_space<vmem>>) dst(%arg5 : memref<1xf32, #tpu.memory_space<hbm>>)
        tpu.yield
      }) : () -> ()
    } else {
    }
    return
  }
}

</mosaic_0001>

<sc_bundles>
// kernel: kernel.3.cloned.1.call-start
scs
__scs_entry_jumppad:
0x0: {  	(pc) =	sbr.rel $0x88, $3  }
0x1: {  	(tag) =	ssettag $0x0;
	lr =	simm.s32 $0x1  }
0x2: {  	[smem:$0x3F9E] =	sst lr;
	_ =	strace $0xD0000000  }
0x3: {  	_ = 	snop  }
0x4: {  	_ = 	snop  }
0x5: {  	_ = 	snop  }
0x6: {  	_ = 	snop  }
0x7: {  	_ = 	snop  }
__scs_overlays_trampoline_lowered:
0x8: {  	[smem:$0x3FAD] =	sst s0  }
0x9: {  	[smem:$0x3FAE] =	sst s1  }
0xa: {  	[smem:$0x3FAF] =	sst s2  }
0xb: {  	[smem:$0x3FB0] =	sst s3  }
0xc: {  	[smem:$0x3FB1] =	sst s4  }
0xd: {  	[smem:$0x3FB2] =	sst s5  }
0xe: {  	[smem:$0x3FB3] =	sst s6  }
0xf: {  	[smem:$0x3FB4] =	sst s7  }
0x10: {  	[smem:$0x3FB5] =	sst s8  }
0x11: {  	[smem:$0x3FB6] =	sst s9;
	s0 =	simm.s32 @!p0 $0x0  }
0x12: {  	s1 =	sld [smem:$0x3F9C];
	s0 =	simm.s32 @p0 $0x1  }
0x13: {  	[smem:$0x3FB7] =	sst s0;
	s0 =	simm.s32 @!p1 $0x0  }
0x14: {  	s2 =	sld [smem:$0x3F9B];
	s0 =	simm.s32 @p1 $0x1  }
0x15: {  	[smem:$0x3FB8] =	sst s0;
	s0 =	simm.s32 @!p2 $0x0  }
0x16: {  	s3 =	sld [smem:$0x3FDB];
	s0 =	simm.s32 @p2 $0x1  }
0x17: {  	s4 =	simm.s32 $0x1BF5;
	[smem:$0x3FBA] =	sst s0  }
0x18: {  	s0 =	sld [smem:$0x3F9D];
	_ =	swait.ge [sflag:s4], $0x0  }
0x19: {  	s7 =	sld [smem:$0x3F9E]  }
0x1a: {  	s8 =	sadd.s32 $0xFFFFE003, lr  }
0x1b: {  	s9 =	sadd.s32 $0xFFFFFEF7, lr;
	s5 =	simm.s32 $0xFFFFFFFF;
	p2 =	slt.u32 s8, $0xFFFFF086  }
0x1c: {  	p1 =	slt.u32 s9, $0xF7A;
	s5 =	simm.s32 @!p2 $0x0  }
0x1d: {  	s5 =	simm.s32 @p1 $0x1;
	p0 =	seq.s32 s7, s2  }
0x1e: {  	s7 =	smul.u32 @!p0 $0xF7A, s2;
	p2 =	seq.s32 @!p0 s5, $0x0  }
0x1f: {  	s9 =	smul.u32 $0xF7A, s1;
	s8 =	simm.s32 @!p0 $0x1BF5;
	p2 =	por !p2, p0  }
0x20: {  	[sflag:s8] =	ssyncset.s32 @!p0 $0xFFFFF086;
	s6 =	sadd.s32 @!p0 s3, s7;
	s7 =	simm.s32 @!p0 $0x108  }
0x21: {  	s3 =	sadd.s32 s3, s9;
	s6 =	sadd.s32 @!p0 $0x88, s6;
	s7 =	simm.s32 @p2 $0x1082  }
0x22: {  	[simem:s7], [sflag:s8] =	dma.local @!p0 [hbm:s6], $0xF7A  }
0x23: {  	s9 =	sor.u32 $0xD0000000, s2;
	s6 =	simm.s32 $0x108;
	_ =	swait.ge @!p0 [sflag:s8], $0x0  }
0x24: {  	s3 =	sadd.s32 $0x88, s3;
	s6 =	simm.s32 @!p1 $0x1082;
	[sflag:s4] =	ssyncset.s32 $0xFFFFF086  }
0x25: {  	[simem:s6], [sflag:s4] =	dma.local [hbm:s3], $0xF7A  }
0x26: {  	[smem:$0x3F9E] =	sst s1;
	(tag) =	ssettag s2;
	_ =	strace s9  }
0x27: {  	s1 =	sld [smem:$0x3FAE]  }
0x28: {  	s2 =	sld [smem:$0x3FAF]  }
0x29: {  	s4 =	sld [smem:$0x3FB1]  }
0x2a: {  	p0 =	seq.s32 s5, $0x0;
	s5 =	sld [smem:$0x3FB2]  }
0x2b: {  	s6 =	sld [smem:$0x3FB3]  }
0x2c: {  	s7 =	sld [smem:$0x3FB4]  }
0x2d: {  	s3 =	simm.s32 $0x108;
	s8 =	sld [smem:$0x3FB5]  }
0x2e: {  	s3 =	simm.s32 @!p0 $0x1082;
	s9 =	sld [smem:$0x3FB6]  }
0x2f: {  	lr =	sadd.s32 s0, s3;
	s0 =	sld [smem:$0x3FAD]  }
0x30: {  	s3 =	sld [smem:$0x3FB0]  }
0x31: {  	[smem:$0x3FB9] =	sst s10  }
0x32: {  	s10 =	sld [smem:$0x3FB7];
	_ =	sdelay $0x3  }
0x33: {  	p0 =	seq.s32 s10, $0x1;
	s10 =	sld [smem:$0x3FB9];
	_ =	sdelay $0x3  }
0x34: {  	[smem:$0x3FB9] =	sst s10  }
0x35: {  	s10 =	sld [smem:$0x3FB8];
	_ =	sdelay $0x3  }
0x36: {  	p1 =	seq.s32 s10, $0x1;
	s10 =	sld [smem:$0x3FB9];
	_ =	sdelay $0x3  }
0x37: {  	[smem:$0x3FB9] =	sst s10  }
0x38: {  	s10 =	sld [smem:$0x3FBA]  }
0x39: {  	_ = 	snop;
	(pc) =	sbr.ind lr, $3  }
0x3a: {  	_ = 	snop  }
0x3b: {  	_ = 	snop  }
0x3c: {  	p2 =	seq.s32 s10, $0x1;
	s10 =	sld [smem:$0x3FB9]  }
0x3d: {  	_ =	shalt  }
0x3e: {  	_ =	shalt  }
0x3f: {  	_ =	shalt  }
0x40: {  	_ =	shalt  }
0x41: {  	_ =	shalt  }
0x42: {  	_ =	shalt  }
0x43: {  	_ =	shalt  }
0x44: {  	_ =	shalt  }
0x45: {  	_ =	shalt  }
0x46: {  	_ =	shalt  }
0x47: {  	_ =	shalt  }
0x48: {  	_ =	shalt  }
0x49: {  	_ =	shalt  }
0x4a: {  	_ =	shalt  }
0x4b: {  	_ =	shalt  }
0x4c: {  	_ =	shalt  }
0x4d: {  	_ =	shalt  }
0x4e: {  	_ =	shalt  }
0x4f: {  	_ =	shalt  }
0x50: {  	_ =	shalt  }
0x51: {  	_ =	shalt  }
0x52: {  	_ =	shalt  }
0x53: {  	_ =	shalt  }
0x54: {  	_ =	shalt  }
0x55: {  	_ =	shalt  }
0x56: {  	_ =	shalt  }
0x57: {  	_ =	shalt  }
0x58: {  	_ =	shalt  }
0x59: {  	_ =	shalt  }
0x5a: {  	_ =	shalt  }
0x5b: {  	_ =	shalt  }
0x5c: {  	_ =	shalt  }
0x5d: {  	_ =	shalt  }
0x5e: {  	_ =	shalt  }
0x5f: {  	_ =	shalt  }
0x60: {  	_ =	shalt  }
0x61: {  	_ =	shalt  }
0x62: {  	_ =	shalt  }
0x63: {  	_ =	shalt  }
0x64: {  	_ =	shalt  }
0x65: {  	_ =	shalt  }
0x66: {  	_ =	shalt  }
0x67: {  	_ =	shalt  }
0x68: {  	_ =	shalt  }
0x69: {  	_ =	shalt  }
0x6a: {  	_ =	shalt  }
0x6b: {  	_ =	shalt  }
0x6c: {  	_ =	shalt  }
0x6d: {  	_ =	shalt  }
0x6e: {  	_ =	shalt  }
0x6f: {  	_ =	shalt  }
0x70: {  	_ =	shalt  }
0x71: {  	_ =	shalt  }
0x72: {  	_ =	shalt  }
0x73: {  	_ =	shalt  }
0x74: {  	_ =	shalt  }
0x75: {  	_ =	shalt  }
0x76: {  	_ =	shalt  }
0x77: {  	_ =	shalt  }
0x78: {  	_ =	shalt  }
0x79: {  	_ =	shalt  }
0x7a: {  	_ =	shalt  }
0x7b: {  	_ =	shalt  }
0x7c: {  	_ =	shalt  }
0x7d: {  	_ =	shalt  }
0x7e: {  	_ =	shalt  }
0x7f: {  	_ =	shalt  }
0x80: {  	_ =	shalt  }
0x81: {  	_ =	shalt  }
0x82: {  	_ =	shalt  }
0x83: {  	_ =	shalt  }
0x84: {  	_ =	shalt  }
0x85: {  	_ =	shalt  }
0x86: {  	_ =	shalt  }
0x87: {  	_ =	shalt  }
.Lfunc_end0:
.L_simem_size_0:
called_computation_lowered:
.L_overlay_start_0:
0x88: {  	s0 =	sld [smem:$0x3FD9]  }
0x89: {  	s1 =	sld [smem:$0x3FFE];
	_ =	sdelay $0x3  }
0x8a: {  	s0 =	sadd.s32 s1, s0  }
0x8b: {  	[smem:$0x3FC5] =	sst s0  }
0x8c: {  	_ = 	snop  }
0x8d: {  	s0 =	sld [smem:$0x3FC9]  }
0x8e: {  	s16 =	sld [smem:$0x3FC8]  }
0x8f: {  	s2 =	sld [smem:$0x3FD0];
	(tm) =	ssettm $0x1  }
0x90: {  	s3 =	sld [smem:$0x3FFB];
	_ =	sdelay $0x3  }
0x91: {  	_ =	strace s3  }
0x92: {  	s3 =	sld [smem:$0x3FFC];
	_ =	sdelay $0x3  }
0x93: {  	_ =	strace s3  }
0x94: {  	s3 =	sld [smem:$0x3FFD];
	_ =	sdelay $0x3  }
0x95: {  	_ =	strace s3  }
0x96: {  	_ =	strace $0x8FFFFFFF  }
0x97: {  	s17 =	sld [smem:$0x3FDB];
	_ =	sdelay $0x1  }
0x98: {  	s4 =	simm.s32 $_scs_section_size  }
0x99: {  	s5 =	simm.s32 $_size__tile_overlayer_lowered;
	s6 =	simm.s32 $_tile_overlayer_lowered  }
0x9a: {  	s20 =	simm.s32 $0x1BFF;
	s19 =	sshll.u32 s6, $0x1;
	s3 =	sadd.s32 s4, s17  }
0x9b: {  	s7 =	simm.s32 $0x0;
	s18 =	sshll.u32 s5, $0x1;
	s5 =	sadd.s32 s19, s3  }
0x9c: {  	[timem:s7], [sflag:s20] =	dma.local [hbm:s5], s18  }
0x9d: {  	_ =	swait.ge [sflag:s20], s18  }
0x9e: {  	s4 =	ssub.s32 $0x0, s18;
	[sflag:s20] =	ssyncset.done $0x0  }
0x9f: {  	[sflag:s20] =	ssyncadd.s32 s4;
	_ =	sdelay $0x1  }
0xa0: {  	s21 =	simm.s32 $0x1B8B  }
0xa1: {  	_ =	swait.ge [sflag:s21], $0x1  }
0xa2: {  	[sflag:s21] =	ssyncset.done $0x0  }
0xa3: {  	s23 =	simm.s32 $0x1B8E;
	s22 =	sld [smem:$0x3FFE];
	[sflag:s21] =	ssyncadd.s32 $0xFFFFFFFF  }
0xa4: {  	s24 =	simm.s32 $execute0_lowered;
	[smem:$0x3FD2] =	sst s23  }
0xa5: {  	s5 =	sshll.u32 s24, $0x1;
	_ =	strace $0x80000046;
	[dreg:$0x1] =	wrdreg $0xFFFFFFFF  }
0xa6: {  	s25 =	simm.s32 $_size_execute0_lowered;
	s3 =	sadd.s32 s3, s5;
	[dreg:$0x0] =	wrdreg $0x0  }
0xa7: {  	s5 =	sshll.u32 s25, $0x1;
	[dreg:$0x2] =	wrdreg s3  }
0xa8: {  	[dreg:$0x3] =	wrdreg s5  }
0xa9: {  	[dreg:$0x4] =	wrdreg $0xC0  }
0xaa: {  	_ =	task [dreg:s7], $0x5FFFF  }
0xab: {  	[dreg:$0x1] =	wrdreg $0xFFFFFFFF  }
0xac: {  	[dreg:$0x0] =	wrdreg $0x60  }
0xad: {  	[dreg:$0x2] =	wrdreg s0  }
0xae: {  	[dreg:$0x3] =	wrdreg s16  }
0xaf: {  	[dreg:$0x4] =	wrdreg s22  }
0xb0: {  	[dreg:$0x5] =	wrdreg s2  }
0xb1: {  	[dreg:$0x6] =	wrdreg $0x20500  }
0xb2: {  	[dreg:$0x7] =	wrdreg $0x9  }
0xb3: {  	_ =	task.clear_ibuf [dreg:s7], $0x8FFFF;
	_ =	strace $0x90000046  }
0xb4: {  	s26 =	simm.s32 $0x9;
	_ =	strace $0x80000048  }
0xb5: {  	_ =	swait.ge [sflag:s26], $0x1  }
0xb6: {  	[sflag:s26] =	ssyncadd.s32 $0xFFFFFFFF  }
0xb7: {  	_ =	strace $0x90000048  }
0xb8: {  	_ =	sfence  }
0xb9: {  	s28 =	sld [smem:$0x0];
	_ =	sdelay $0x1  }
0xba: {  	s29 =	srdreg.scid  }
0xbb: {  	s30 =	sshll.u32 s29, $0xD;
	s31 =	sshrl.u32 s29, $0x2  }
0xbc: {  	s1 =	sand.u32 $0x1, s29;
	s2 =	sand.u32 $0x4000, s30;
	s0 =	sadd.s32 s31, s28  }
0xbd: {  	s1 =	sor.u32 s2, s1;
	s0 =	sshll.u32 s0, $0x11  }
0xbe: {  	s0 =	sor.u32 s0, s1  }
0xbf: {  	s0 =	sadd.s32 $0x8F2B, s0  }
0xc0: {  	[sflag:s0] =	ssyncadd.remote.s32 $0x1  }
0xc1: {  	_ =	sfence.sel $0xFFFF  }
0xc2: {  	[dreg:$0x0] =	wrdreg $0xFFFFFFFF;
	(pc) =	sbr.abs _section_cstart, $3  }
0xc3: {  	[dreg:$0x1] =	wrdreg $0xFFFFFFFF  }
0xc4: {  	_ =	task.clear_ibuf [dreg:s7], $0x2FFFF;
	_ =	strace $0x9FFFFFFF  }
0xc5: {  	(tm) =	ssettm $0x7FFFFFFF  }
tec
execute0_lowered:
.L_overlay_start_1:
0x0: {  	(tag) =	ssettag $0x1  }
0x1: {  	s6 =	rddreg [dreg:$0x0]  }
0x2: {  	s7 =	rddreg [dreg:$0x1]  }
0x3: {  	s4 =	rddreg [dreg:$0x2]  }
0x4: {  	s1 =	rddreg [dreg:$0x3];
	s3 =	stileid.u32  }
0x5: {  	s2 =	rddreg [dreg:$0x4];
	s8 =	smul.u32 $0x4B, s3  }
0x6: {  	s0 =	rddreg [dreg:$0x5];
	s5 =	simm.s32 $0x0;
	v1 =	vlaneseq.u32  }
0x7: {  	[smem:$0x7FF] =	sst s5;
	v0 =	vmul.u32 $0x6, v1;
	s4 =	sadd.s32 s8, s4  }
0x8: {  	s23 =	simm.s32 $0x3;
	_ =	strace $0x80000047;
	s4 =	sadd.s32 $0x400, s4  }
0x9: {  	[tilespmem:s5], [sflag:$0x3] =	stream.linear.gather [hbm4b:s4+s5], $0x258, $0x38;
	[tilespmem:$0x2060] =	vst v63  }
0xa: {  	v2 =	vor.u32 $0x1, v0;
	_ =	swait.ge [sflag:s23], $0x258  }
0xb: {  	[sflag:s23] =	ssyncset.done $0x0  }
0xc: {  	[sflag:s23] =	ssyncadd.s32 $0xFFFFFDA8  }
0xd: {  	v3 =	vld.idx.msk [tilespmem:v0+s5+$0x0], $0xffff;
	_ =	sdelay $0x1  }
0xe: {  	v2 =	vld.idx.msk [tilespmem:v2+s5+$0x0], $0xffff;
	_ =	sdelay $0x2  }
0xf: {  	v3 =	vmul.f32 $1.280000000e+02, v3;
	_ =	sdelay $0x1  }
0x10: {  	v2 =	vmul.f32 $1.280000000e+02, v2;
	v3 =	vtrunc.f32 v3  }
0x11: {  	v3 =	vcvt.f32.s32 v3  }
0x12: {  	v2 =	vtrunc.f32 v2  }
0x13: {  	s24 =	sshll.u32 s3, $0xF;
	v2 =	vcvt.f32.s32 v2;
	v3 =	vshll.u32 v3, $0x7  }
0x14: {  	v3 =	vadd.s32 s24, v3  }
0x15: {  	v3 =	vadd.s32 v2, v3  }
0x16: {  	v4 =	vadd.s32 $0x60, v0;
	v3 =	vshra.s32 v3, $0x4  }
0x17: {  	vm0 =	vlt.s32 v3, $0x7BFF  }
0x18: {  	v5 =	vadd.s32 $0x61, v0;
	v3 =	vnsel vm0, $0x7BFF, v3  }
0x19: {  	[tilespmem:$0x258] =	vst v3;
	v3 =	vadd.s32 $0x400, v3  }
0x1a: {  	[tilespmem:$0x2C8] =	vst v3  }
0x1b: {  	v3 =	vld.idx.msk [tilespmem:v4+s5+$0x0], $0xffff;
	_ =	sdelay $0x1  }
0x1c: {  	v38 =	vld.idx.msk [tilespmem:v5+s5+$0x0], $0xffff;
	_ =	sdelay $0x2  }
0x1d: {  	v3 =	vmul.f32 $1.280000000e+02, v3;
	_ =	sdelay $0x1  }
0x1e: {  	v4 =	vmul.f32 $1.280000000e+02, v38;
	v3 =	vtrunc.f32 v3  }
0x1f: {  	v39 =	vcvt.f32.s32 v3  }
0x20: {  	v40 =	vtrunc.f32 v4  }
0x21: {  	v3 =	vcvt.f32.s32 v40;
	v41 =	vshll.u32 v39, $0x7  }
0x22: {  	v4 =	vadd.s32 s24, v41  }
0x23: {  	v4 =	vadd.s32 v3, v4  }
0x24: {  	v42 =	vadd.s32 $0xC0, v0;
	v4 =	vshra.s32 v4, $0x4  }
0x25: {  	vm9 =	vlt.s32 v4, $0x7BFF  }
0x26: {  	v6 =	vadd.s32 $0xC1, v0;
	v4 =	vnsel vm9, $0x7BFF, v4  }
0x27: {  	[tilespmem:$0x268] =	vst v4;
	v4 =	vadd.s32 $0x400, v4  }
0x28: {  	[tilespmem:$0x2D8] =	vst v4  }
0x29: {  	v4 =	vld.idx.msk [tilespmem:v42+s5+$0x0], $0xffff;
	_ =	sdelay $0x1  }
0x2a: {  	v43 =	vld.idx.msk [tilespmem:v6+s5+$0x0], $0xffff;
	_ =	sdelay $0x2  }
0x2b: {  	v4 =	vmul.f32 $1.280000000e+02, v4;
	_ =	sdelay $0x1  }
0x2c: {  	v5 =	vmul.f32 $1.280000000e+02, v43;
	v4 =	vtrunc.f32 v4  }
0x2d: {  	v4 =	vcvt.f32.s32 v4  }
0x2e: {  	v5 =	vtrunc.f32 v5  }
0x2f: {  	v5 =	vcvt.f32.s32 v5;
	v4 =	vshll.u32 v4, $0x7  }
0x30: {  	v4 =	vadd.s32 s24, v4  }
0x31: {  	v4 =	vadd.s32 v5, v4  }
0x32: {  	v44 =	vadd.s32 $0x120, v0;
	v4 =	vshra.s32 v4, $0x4  }
0x33: {  	vm10 =	vlt.s32 v4, $0x7BFF  }
0x34: {  	v7 =	vadd.s32 $0x121, v0;
	v4 =	vnsel vm10, $0x7BFF, v4  }
0x35: {  	[tilespmem:$0x278] =	vst v4;
	v4 =	vadd.s32 $0x400, v4  }
0x36: {  	[tilespmem:$0x2E8] =	vst v4  }
0x37: {  	v4 =	vld.idx.msk [tilespmem:v44+s5+$0x0], $0xffff;
	_ =	sdelay $0x1  }
0x38: {  	v45 =	vld.idx.msk [tilespmem:v7+s5+$0x0], $0xffff;
	_ =	sdelay $0x2  }
0x39: {  	v4 =	vmul.f32 $1.280000000e+02, v4;
	_ =	sdelay $0x1  }
0x3a: {  	v6 =	vmul.f32 $1.280000000e+02, v45;
	v4 =	vtrunc.f32 v4  }
0x3b: {  	v4 =	vcvt.f32.s32 v4  }
0x3c: {  	v6 =	vtrunc.f32 v6  }
0x3d: {  	v6 =	vcvt.f32.s32 v6;
	v4 =	vshll.u32 v4, $0x7  }
0x3e: {  	v4 =	vadd.s32 s24, v4  }
0x3f: {  	v4 =	vadd.s32 v6, v4  }
0x40: {  	v46 =	vor.u32 $0x180, v0;
	v4 =	vshra.s32 v4, $0x4  }
0x41: {  	vm11 =	vlt.s32 v4, $0x7BFF  }
0x42: {  	v8 =	vor.u32 $0x181, v0;
	v4 =	vnsel vm11, $0x7BFF, v4  }
0x43: {  	[tilespmem:$0x288] =	vst v4;
	v4 =	vadd.s32 $0x400, v4  }
0x44: {  	[tilespmem:$0x2F8] =	vst v4  }
0x45: {  	v4 =	vld.idx.msk [tilespmem:v46+s5+$0x0], $0xffff;
	_ =	sdelay $0x1  }
0x46: {  	v47 =	vld.idx.msk [tilespmem:v8+s5+$0x0], $0xffff;
	_ =	sdelay $0x2  }
0x47: {  	v4 =	vmul.f32 $1.280000000e+02, v4;
	_ =	sdelay $0x1  }
0x48: {  	v7 =	vmul.f32 $1.280000000e+02, v47;
	v4 =	vtrunc.f32 v4  }
0x49: {  	v4 =	vcvt.f32.s32 v4  }
0x4a: {  	v7 =	vtrunc.f32 v7  }
0x4b: {  	v7 =	vcvt.f32.s32 v7;
	v4 =	vshll.u32 v4, $0x7  }
0x4c: {  	v4 =	vadd.s32 s24, v4  }
0x4d: {  	v4 =	vadd.s32 v7, v4  }
0x4e: {  	v48 =	vadd.s32 $0x1E0, v0;
	v4 =	vshra.s32 v4, $0x4  }
0x4f: {  	vm12 =	vlt.s32 v4, $0x7BFF  }
0x50: {  	v4 =	vnsel vm12, $0x7BFF, v4  }
0x51: {  	v9 =	vadd.s32 $0x1E1, v0;
	[tilespmem:$0x298] =	vst v4;
	v4 =	vadd.s32 $0x400, v4  }
0x52: {  	[tilespmem:$0x308] =	vst v4  }
0x53: {  	v4 =	vld.idx.msk [tilespmem:v48+s5+$0x0], $0xffff;
	_ =	sdelay $0x2  }
0x54: {  	v49 =	vld.idx.msk [tilespmem:v9+s5+$0x0], $0xffff;
	_ =	sdelay $0x1  }
0x55: {  	v4 =	vmul.f32 $1.280000000e+02, v4;
	_ =	sdelay $0x1  }
0x56: {  	v4 =	vtrunc.f32 v4  }
0x57: {  	v8 =	vmul.f32 $1.280000000e+02, v49;
	v4 =	vcvt.f32.s32 v4  }
0x58: {  	vm2 =	vcmask $0x300;
	vm13 =	vcmask $0x704  }
0x59: {  	v8 =	vtrunc.f32 v8;
	v50 =	vshll.u32 v4, $0x7;
	v4 =	vimm.s32 $0x257  }
0x5a: {  	vm1 =	vcmask $0xB08;
	v8 =	vcvt.f32.s32 v8;
	v10 =	vsel vm2, $0x240, v4  }
0x5b: {  	vm3 =	vcmask $0xF0C;
	v9 =	vadd.s32 s24, v50;
	v10 =	vsel vm13, $0x246, v10  }
0x5c: {  	v11 =	vsel vm2, $0x241, v4;
	v9 =	vadd.s32 v8, v9;
	v10 =	vsel vm1, $0x24C, v10  }
0x5d: {  	v11 =	vsel vm13, $0x247, v11;
	v9 =	vshra.s32 v9, $0x4;
	v10 =	vsel vm3, $0x252, v10  }
0x5e: {  	v11 =	vsel vm1, $0x24D, v11;
	vm4 =	vlt.s32 v9, $0x7BFF  }
0x5f: {  	v11 =	vsel vm3, $0x253, v11;
	v9 =	vnsel vm4, $0x7BFF, v9  }
0x60: {  	[tilespmem:$0x2A8] =	vst v9;
	v9 =	vadd.s32 $0x400, v9  }
0x61: {  	[tilespmem:$0x318] =	vst v9  }
0x62: {  	v9 =	vld.idx.msk [tilespmem:v10+s5+$0x0], $0xffff;
	_ =	sdelay $0x1  }
0x63: {  	v51 =	vld.idx.msk [tilespmem:v11+s5+$0x0], $0xffff;
	_ =	sdelay $0x2  }
0x64: {  	v9 =	vmul.f32 $1.280000000e+02, v9;
	_ =	sdelay $0x1  }
0x65: {  	v10 =	vmul.f32 $1.280000000e+02, v51;
	v9 =	vtrunc.f32 v9  }
0x66: {  	v9 =	vcvt.f32.s32 v9  }
0x67: {  	v10 =	vtrunc.f32 v10  }
0x68: {  	v10 =	vcvt.f32.s32 v10;
	v9 =	vshll.u32 v9, $0x7  }
0x69: {  	v9 =	vadd.s32 s24, v9  }
0x6a: {  	v9 =	vadd.s32 v10, v9  }
0x6b: {  	v9 =	vshra.s32 v9, $0x4  }
0x6c: {  	vm14 =	vlt.s32 v9, $0x7BFF  }
0x6d: {  	v9 =	vnsel vm14, $0x7BFF, v9  }
0x6e: {  	v52 =	vadd.s32 $0x2, v0;
	[tilespmem:$0x2B8] =	vst v9;
	v9 =	vadd.s32 $0x400, v9  }
0x6f: {  	s9 =	simm.s32 $0xE0;
	s10 =	simm.s32 $0x258;
	s25 =	simm.s32 $0x338;
	v53 =	vadd.s32 $0x3, v0;
	[tilespmem:$0x328] =	vst v9  }
0x70: {  	v12 =	vadd.s32 $0x62, v0;
	[tilespmem:s25], [sflag:$0x1] =	stream.indirect.gather [hbm4b:s6+s9], $0x10, s10, s9, $0xb8;
	[tilespmem:$0x2060] =	vst v63  }
0x71: {  	s26 =	simm.s32 $0x1138;
	v13 =	vadd.s32 $0x63, v0  }
0x72: {  	v14 =	vadd.s32 $0xC2, v0;
	[tilespmem:s26], [sflag:$0x2] =	stream.indirect.gather [hbm4b:s7+s9], $0x10, s10, s9, $0xb8;
	[tilespmem:$0x2060] =	vst v63  }
0x73: {  	v15 =	vadd.s32 $0xC3, v0;
	v11 =	vld.idx.msk [tilespmem:v52+s5+$0x0], $0xffff  }
0x74: {  	v16 =	vadd.s32 $0x122, v0;
	v9 =	vld.idx.msk [tilespmem:v53+s5+$0x0], $0xffff  }
0x75: {  	v17 =	vadd.s32 $0x123, v0;
	v12 =	vld.idx.msk [tilespmem:v12+s5+$0x0], $0xffff  }
0x76: {  	v18 =	vadd.s32 $0x182, v0;
	v13 =	vld.idx.msk [tilespmem:v13+s5+$0x0], $0xffff  }
0x77: {  	v19 =	vadd.s32 $0x183, v0;
	v20 =	vsel vm2, $0x242, v4;
	v14 =	vld.idx.msk [tilespmem:v14+s5+$0x0], $0xffff  }
0x78: {  	v21 =	vadd.s32 $0x1E2, v0;
	v22 =	vsel vm2, $0x243, v4;
	v20 =	vsel vm13, $0x248, v20;
	v15 =	vld.idx.msk [tilespmem:v15+s5+$0x0], $0xffff  }
0x79: {  	v23 =	vadd.s32 $0x1E3, v0;
	v22 =	vsel vm13, $0x249, v22;
	v20 =	vsel vm1, $0x24E, v20;
	v16 =	vld.idx.msk [tilespmem:v16+s5+$0x0], $0xffff  }
0x7a: {  	v22 =	vsel vm1, $0x24F, v22;
	v20 =	vsel vm3, $0x254, v20;
	v17 =	vld.idx.msk [tilespmem:v17+s5+$0x0], $0xffff  }
0x7b: {  	v22 =	vsel vm3, $0x255, v22;
	v18 =	vld.idx.msk [tilespmem:v18+s5+$0x0], $0xffff  }
0x7c: {  	v1 =	vmul.u32 $0x10, v1;
	v19 =	vld.idx.msk [tilespmem:v19+s5+$0x0], $0xffff  }
0x7d: {  	v2 =	vand.u32 $0xF, v2;
	v21 =	vld.idx.msk [tilespmem:v21+s5+$0x0], $0xffff  }
0x7e: {  	v25 =	vor.u32 $0x700, v1;
	v24 =	vor.u32 v1, v2;
	v23 =	vld.idx.msk [tilespmem:v23+s5+$0x0], $0xffff  }
0x7f: {  	s28 =	simm.s32 $0x1;
	v54 =	vor.u32 $0x100, v1;
	v2 =	vor.u32 v25, v2;
	v3 =	vand.u32 $0xF, v3;
	v20 =	vld.idx.msk [tilespmem:v20+s5+$0x0], $0xffff  }
0x80: {  	v26 =	vor.u32 $0x800, v1;
	v25 =	vor.u32 v54, v3;
	v22 =	vld.idx.msk [tilespmem:v22+s5+$0x0], $0xffff;
	_ =	swait.ge [sflag:s28], $0xE00  }
0x81: {  	v55 =	vor.u32 $0x200, v1;
	v3 =	vor.u32 v26, v3;
	v5 =	vand.u32 $0xF, v5;
	[sflag:s28] =	ssyncset.done $0x0  }
0x82: {  	v27 =	vor.u32 $0x900, v1;
	v26 =	vor.u32 v55, v5;
	[sflag:s28] =	ssyncadd.s32 $0xFFFFF200  }
0x83: {  	v56 =	vor.u32 $0x300, v1;
	v5 =	vor.u32 v27, v5;
	v6 =	vand.u32 $0xF, v6;
	v28 =	vld.idx.msk [tilespmem:v24+s25+$0x0], $0xffff  }
0x84: {  	v30 =	vor.u32 $0xA00, v1;
	v27 =	vor.u32 v56, v6;
	v29 =	vld.idx.msk [tilespmem:v2+s25+$0x0], $0xffff  }
0x85: {  	v57 =	vor.u32 $0x400, v1;
	v6 =	vor.u32 v30, v6;
	v7 =	vand.u32 $0xF, v7;
	v31 =	vld.idx.msk [tilespmem:v25+s25+$0x0], $0xffff  }
0x86: {  	v33 =	vor.u32 $0xB00, v1;
	v30 =	vor.u32 v57, v7;
	v32 =	vld.idx.msk [tilespmem:v3+s25+$0x0], $0xffff  }
0x87: {  	v58 =	vor.u32 $0x500, v1;
	v7 =	vor.u32 v33, v7;
	v8 =	vand.u32 $0xF, v8;
	v34 =	vld.idx.msk [tilespmem:v26+s25+$0x0], $0xffff  }
0x88: {  	v36 =	vor.u32 $0xC00, v1;
	v33 =	vor.u32 v58, v8;
	v35 =	vld.idx.msk [tilespmem:v5+s25+$0x0], $0xffff  }
0x89: {  	v59 =	vor.u32 $0x600, v1;
	v8 =	vor.u32 v36, v8;
	v10 =	vand.u32 $0xF, v10;
	v37 =	vld.idx.msk [tilespmem:v27+s25+$0x0], $0xffff  }
0x8a: {  	v1 =	vor.u32 $0xD00, v1;
	v36 =	vor.u32 v59, v10;
	v38 =	vld.idx.msk [tilespmem:v6+s25+$0x0], $0xffff  }
0x8b: {  	v1 =	vor.u32 v1, v10;
	v39 =	vld.idx.msk [tilespmem:v30+s25+$0x0], $0xffff  }
0x8c: {  	v42 =	vadd.s32 $0x5, v0;
	v60 =	vld.idx.msk [tilespmem:v7+s25+$0x0], $0xffff  }
0x8d: {  	v44 =	vadd.s32 $0x65, v0;
	v41 =	vld.idx.msk [tilespmem:v33+s25+$0x0], $0xffff  }
0x8e: {  	v46 =	vadd.s32 $0xC4, v0;
	v56 =	vsel vm2, $0x244, v4;
	v4 =	vsel vm2, $0x245, v4;
	v61 =	vld.idx.msk [tilespmem:v8+s25+$0x0], $0xffff  }
0x8f: {  	v55 =	vadd.s32 $0x185, v0;
	v4 =	vsel vm13, $0x24B, v4;
	v43 =	vld.idx.msk [tilespmem:v36+s25+$0x0], $0xffff  }
0x90: {  	v62 =	vadd.s32 $0x64, v0;
	v63 =	vadd.s32 $0xC5, v0;
	v4 =	vsel vm1, $0x251, v4;
	v45 =	vld.idx.msk [tilespmem:v1+s25+$0x0], $0xffff  }
0x91: {  	v40 =	vadd.s32 $0x4, v0;
	v47 =	vadd.s32 $0x1E4, v0;
	v53 =	vadd.s32 $0x184, v0;
	v49 =	vld.idx.msk [tilespmem:v42+s5+$0x0], $0xffff  }
0x92: {  	v50 =	vadd.s32 $0x124, v0;
	v51 =	vadd.s32 $0x125, v0;
	v0 =	vadd.s32 $0x1E5, v0;
	v52 =	vld.idx.msk [tilespmem:v44+s5+$0x0], $0xffff  }
0x93: {  	v54 =	vld.idx.msk [tilespmem:v46+s5+$0x0], $0xffff  }
0x94: {  	v44 =	vld.idx.msk [tilespmem:v55+s5+$0x0], $0xffff  }
0x95: {  	v46 =	vsel vm13, $0x24A, v56;
	v4 =	vld.idx.msk [tilespmem:v4+s5+$0x0], $0xffff  }
0x96: {  	v46 =	vsel vm1, $0x250, v46;
	v42 =	vld.idx.msk [tilespmem:v53+s5+$0x0], $0xffff;
	v11 =	vsub.f32 v28, v11;
	v9 =	vsub.f32 v29, v9  }
0x97: {  	v57 =	vsel vm3, $0x256, v46;
	v0 =	vld.idx.msk [tilespmem:v0+s5+$0x0], $0xffff;
	v12 =	vsub.f32 v31, v12;
	v13 =	vsub.f32 v32, v13  }
0x98: {  	v31 =	vld.idx.msk [tilespmem:v40+s5+$0x0], $0xffff;
	v48 =	vsub.f32 v34, v14;
	v15 =	vsub.f32 v35, v15;
	v11 =	vand.u32 $0x7FFFFFFF, v11  }
0x99: {  	v29 =	vld.idx.msk [tilespmem:v62+s5+$0x0], $0xffff;
	v9 =	vand.u32 $0x7FFFFFFF, v9;
	v12 =	vand.u32 $0x7FFFFFFF, v12;
	v13 =	vand.u32 $0x7FFFFFFF, v13  }
0x9a: {  	v32 =	vld.idx.msk [tilespmem:v63+s5+$0x0], $0xffff;
	v9 =	vadd.f32 v9, v11;
	v12 =	vadd.f32 v13, v12  }
0x9b: {  	v34 =	vld.idx.msk [tilespmem:v50+s5+$0x0], $0xffff;
	v15 =	vand.u32 $0x7FFFFFFF, v15  }
0x9c: {  	v40 =	vld.idx.msk [tilespmem:v51+s5+$0x0], $0xffff;
	v11 =	vand.u32 $0x7FFFFFFF, v48;
	v9 =	vmul.f32 $1.000000010e-01, v9;
	v12 =	vmul.f32 $1.000000010e-01, v12  }
0x9d: {  	s29 =	simm.s32 $0x2;
	v11 =	vadd.f32 v15, v11;
	v15 =	vld.idx.msk [tilespmem:v57+s5+$0x0], $0xffff  }
0x9e: {  	v9 =	vadd.f32 v12, v9;
	v12 =	vld.idx.msk [tilespmem:v47+s5+$0x0], $0xffff;
	_ =	swait.ge [sflag:s29], $0xE00  }
0x9f: {  	[sflag:s29] =	ssyncset.done $0x0  }
0xa0: {  	v16 =	vsub.f32 v37, v16;
	v17 =	vsub.f32 v38, v17;
	[sflag:s29] =	ssyncadd.s32 $0xFFFFF200  }
0xa1: {  	v58 =	vsub.f32 v39, v18;
	v10 =	vsub.f32 v60, v19;
	v63 =	vld.idx.msk [tilespmem:v24+s26+$0x0], $0xffff  }
0xa2: {  	v59 =	vsub.f32 v41, v21;
	v60 =	vsub.f32 v61, v23;
	v2 =	vld.idx.msk [tilespmem:v2+s26+$0x0], $0xffff  }
0xa3: {  	v16 =	vand.u32 $0x7FFFFFFF, v16;
	v17 =	vand.u32 $0x7FFFFFFF, v17;
	v11 =	vmul.f32 $1.000000010e-01, v11;
	v38 =	vld.idx.msk [tilespmem:v25+s26+$0x0], $0xffff  }
0xa4: {  	v61 =	vsub.f32 v43, v20;
	v16 =	vadd.f32 v17, v16;
	v3 =	vld.idx.msk [tilespmem:v3+s26+$0x0], $0xffff  }
0xa5: {  	v10 =	vand.u32 $0x7FFFFFFF, v10;
	v9 =	vadd.f32 v11, v9;
	v11 =	vand.u32 $0x7FFFFFFF, v58;
	v41 =	vld.idx.msk [tilespmem:v26+s26+$0x0], $0xffff  }
0xa6: {  	v62 =	vsub.f32 v45, v22;
	v16 =	vmul.f32 $1.000000010e-01, v16;
	v10 =	vadd.f32 v10, v11;
	v5 =	vld.idx.msk [tilespmem:v5+s26+$0x0], $0xffff  }
0xa7: {  	v18 =	vand.u32 $0x7FFFFFFF, v60;
	v17 =	vand.u32 $0x7FFFFFFF, v59;
	v11 =	vand.u32 $0x7FFFFFFF, v61;
	v45 =	vld.idx.msk [tilespmem:v27+s26+$0x0], $0xffff  }
0xa8: {  	v24 =	vand.u32 $0x7FFFFFFF, v62;
	v6 =	vld.idx.msk [tilespmem:v6+s26+$0x0], $0xffff;
	v9 =	vadd.f32 v16, v9;
	v10 =	vmul.f32 $1.000000010e-01, v10  }
0xa9: {  	v23 =	vadd.f32 v18, v17;
	v47 =	vld.idx.msk [tilespmem:v30+s26+$0x0], $0xffff;
	v28 =	vadd.f32 v24, v11  }
0xaa: {  	v7 =	vld.idx.msk [tilespmem:v7+s26+$0x0], $0xffff;
	v9 =	vadd.f32 v10, v9;
	v39 =	vsub.f32 v63, v31  }
0xab: {  	v2 =	vsub.f32 v2, v49;
	v46 =	vsub.f32 v38, v29  }
0xac: {  	v3 =	vsub.f32 v3, v52;
	v49 =	vsub.f32 v41, v54  }
0xad: {  	v37 =	vmul.f32 $1.000000010e-01, v23;
	v51 =	vld.idx.msk [tilespmem:v33+s26+$0x0], $0xffff;
	v5 =	vsub.f32 v5, v32;
	v50 =	vsub.f32 v45, v34  }
0xae: {  	v10 =	vmul.f32 $1.000000010e-01, v28;
	v6 =	vsub.f32 v6, v40;
	v55 =	vsub.f32 v47, v42  }
0xaf: {  	vm15 =	vmmov $0xf;
	v8 =	vld.idx.msk [tilespmem:v8+s26+$0x0], $0xffff;
	v7 =	vsub.f32 v7, v44;
	v9 =	vadd.f32 v37, v9  }
0xb0: {  	v10 =	vnsel vm15, $0x0, v10;
	v43 =	vand.u32 $0x7FFFFFFF, v39;
	v2 =	vand.u32 $0x7FFFFFFF, v2  }
0xb1: {  	v9 =	vadd.f32 v10, v9;
	v2 =	vadd.f32 v2, v43  }
0xb2: {  	v60 =	vsub.f32 v51, v12;
	v48 =	vand.u32 $0x7FFFFFFF, v46;
	v3 =	vand.u32 $0x7FFFFFFF, v3  }
0xb3: {  	v1 =	vld.idx.msk [tilespmem:v1+s26+$0x0], $0xffff;
	v3 =	vadd.f32 v3, v48;
	v2 =	vadd.f32 v2, v9  }
0xb4: {  	v54 =	vld.idx.msk [tilespmem:v36+s26+$0x0], $0xffff;
	v0 =	vsub.f32 v8, v0;
	v5 =	vand.u32 $0x7FFFFFFF, v5;
	v10 =	vand.u32 $0x7FFFFFFF, v49  }
0xb5: {  	v52 =	vadd.f32 v5, v10;
	v2 =	vadd.f32 v3, v2  }
0xb6: {  	v53 =	vand.u32 $0x7FFFFFFF, v50;
	v6 =	vand.u32 $0x7FFFFFFF, v6;
	v57 =	vand.u32 $0x7FFFFFFF, v55  }
0xb7: {  	v58 =	vand.u32 $0x7FFFFFFF, v7;
	v56 =	vadd.f32 v6, v53;
	v2 =	vadd.f32 v52, v2  }
0xb8: {  	v1 =	vsub.f32 v1, v4;
	v59 =	vadd.f32 v58, v57  }
0xb9: {  	v61 =	vsub.f32 v54, v15;
	v2 =	vadd.f32 v56, v2  }
0xba: {  	v62 =	vand.u32 $0x7FFFFFFF, v60;
	v0 =	vand.u32 $0x7FFFFFFF, v0;
	v1 =	vand.u32 $0x7FFFFFFF, v1  }
0xbb: {  	v0 =	vadd.f32 v0, v62;
	v63 =	vand.u32 $0x7FFFFFFF, v61;
	v2 =	vadd.f32 v59, v2  }
0xbc: {  	v1 =	vadd.f32 v1, v63  }
0xbd: {  	v0 =	vadd.f32 v0, v2  }
0xbe: {  	v1 =	vnsel vm15, $0x0, v1  }
0xbf: {  	v0 =	vadd.f32 v1, v0  }
0xc0: {  	s30 =	sshll.u32 s3, $0x4  }
0xc1: {  	s31 =	simm.s32 $0x1F38;
	s5 =	sadd.s32 s30, s2;
	[tilespmem:$0x1F38] =	vst v0  }
0xc2: {  	[spmem:s5] =	stream.linear.scatter [tilespmem:s31], [sflag:$0x3], $0x10, $0x38;
	[tilespmem:$0x2060] =	vst v63  }
0xc3: {  	_ =	swait.ge [sflag:s23], $0x10  }
0xc4: {  	[sflag:s23] =	ssyncset.done $0x0  }
0xc5: {  	[sflag:s23] =	ssyncadd.s32 $0xFFFFFFF0  }
0xc6: {  	p0 =	sne.s32 s3, $0x0;
	[bflag:$0x0] =	sbarrier.arrive $0xFFFF  }
0xc7: {  	_ =	sfence.sel @p0 $0x180000  }
0xc8: {  	[bflag:$0x0] =	sbarrier.arrive @p0 $0xFFFF  }
0xc9: {  	_ =	strace @p0 $0x90000047  }
0xca: {  	s3 =	simm.s32 @!p0 $0x1F48;
	[bflag:$0x2] =	sbarrier.arrive @p0 $0xFFFF  }
0xcb: {  	[tilespmem:s3], [sflag:$0x3] =	stream.linear.gather @!p0 [spmem:s2], $0x100, $0x38;
	[tilespmem:$0x2060] =	vst v63  }
0xcc: {  	s2 =	simm.s32 @!p0 $0x3  }
0xcd: {  	_ =	swait.ge @!p0 [sflag:s2], $0x100  }
0xce: {  	[sflag:s2] =	ssyncset.done @!p0 $0x0  }
0xcf: {  	[sflag:s2] =	ssyncadd.s32 @!p0 $0xFFFFFF00  }
0xd0: {  	v0 =	vld @!p0 [tilespmem:$0x1F48]  }
0xd1: {  	v1 =	vld @!p0 [tilespmem:$0x1F58];
	_ =	sdelay $0x1  }
0xd2: {  	v2 =	vld @!p0 [tilespmem:$0x1F68];
	_ =	sdelay $0x1  }
0xd3: {  	v3 =	vld @!p0 [tilespmem:$0x1F78]  }
0xd4: {  	v0 =	vadd.f32 @!p0 v1, v0  }
0xd5: {  	v1 =	vld @!p0 [tilespmem:$0x1F88]  }
0xd6: {  	v0 =	vadd.f32 @!p0 v2, v0  }
0xd7: {  	v2 =	vld @!p0 [tilespmem:$0x1F98]  }
0xd8: {  	v0 =	vadd.f32 @!p0 v3, v0  }
0xd9: {  	v3 =	vld @!p0 [tilespmem:$0x1FA8]  }
0xda: {  	v0 =	vadd.f32 @!p0 v1, v0  }
0xdb: {  	v1 =	vld @!p0 [tilespmem:$0x1FB8]  }
0xdc: {  	v0 =	vadd.f32 @!p0 v2, v0  }
0xdd: {  	v2 =	vld @!p0 [tilespmem:$0x1FC8]  }
0xde: {  	v0 =	vadd.f32 @!p0 v3, v0  }
0xdf: {  	v3 =	vld @!p0 [tilespmem:$0x1FD8]  }
0xe0: {  	v0 =	vadd.f32 @!p0 v1, v0  }
0xe1: {  	v1 =	vld @!p0 [tilespmem:$0x1FE8]  }
0xe2: {  	v0 =	vadd.f32 @!p0 v2, v0  }
0xe3: {  	v2 =	vld @!p0 [tilespmem:$0x1FF8]  }
0xe4: {  	v0 =	vadd.f32 @!p0 v3, v0  }
0xe5: {  	v3 =	vld @!p0 [tilespmem:$0x2008]  }
0xe6: {  	v0 =	vadd.f32 @!p0 v1, v0  }
0xe7: {  	v1 =	vld @!p0 [tilespmem:$0x2018]  }
0xe8: {  	v0 =	vadd.f32 @!p0 v2, v0  }
0xe9: {  	v2 =	vld @!p0 [tilespmem:$0x2028]  }
0xea: {  	v0 =	vadd.f32 @!p0 v3, v0  }
0xeb: {  	v3 =	vld @!p0 [tilespmem:$0x2038]  }
0xec: {  	v0 =	vadd.f32 @!p0 v1, v0;
	_ =	sdelay $0x1  }
0xed: {  	v0 =	vadd.f32 @!p0 v2, v0;
	_ =	sdelay $0x1  }
0xee: {  	v0 =	vadd.f32 @!p0 v3, v0;
	_ =	sdelay $0x1  }
0xef: {  	(xrf2) =	vadd.scan.msk.f32 @!p0 $0xffff, v0;
	_ =	sdelay $0x9  }
0xf0: {  	v0, _, _ =	vpop @!p0 (xrf2)  }
0xf1: {  	(v2sf) =	vpush @!p0 v0, $0xF;
	_ =	sdelay $0xd  }
0xf2: {  	v0 =	vimm.s32 @!p0 $0x0  }
0xf3: {  	s3 =	spop @!p0 (v2sf)  }
0xf4: {  	s3 =	smul.f32 @!p0 $3.124999930e-04, s3;
	_ =	sdelay $0x1  }
0xf5: {  	v1 =	vmov @!p0 s3;
	s3 =	simm.s32 @!p0 $0x2048  }
0xf6: {  	s4 =	simm.s32 @!p0 $0x0;
	[tilespmem:v0+s3+$0x0] =	vst.idx.msk @!p0 $0x1, v1  }
0xf7: {  	[hbm4b:s1+s4] =	stream.linear.scatter @!p0 [tilespmem:s3], [sflag:$0x3], $0x8, $0x38;
	[tilespmem:$0x2060] =	vst v63  }
0xf8: {  	_ =	swait.ge @!p0 [sflag:s2], $0x8  }
0xf9: {  	[sflag:s2] =	ssyncset.done @!p0 $0x0  }
0xfa: {  	[sflag:s2] =	ssyncadd.s32 @!p0 $0xFFFFFFF8  }
0xfb: {  	_ =	sfence.sel @!p0 $0x180000  }
0xfc: {  	[bflag:$0x0] =	sbarrier.arrive @!p0 $0xFFFF  }
0xfd: {  	_ =	strace @!p0 $0x90000047  }
0xfe: {  	s0 =	sadd.s32 @!p0 $0x100000, s0;
	[bflag:$0x2] =	sbarrier.arrive @!p0 $0xFFFF  }
0xff: {  	[sflag:s0] =	ssyncadd.tile.s32 @!p0 $0x1;
	_ =	shalt  }
.Lfunc_end2:
_tile_overlayer_lowered:
.L_overlay_start_2:
0x100: {  	(tag) =	ssettag $0x2  }
0x101: {  	s0 =	rddreg [dreg:$0x0];
	s2 =	stileid.u32  }
0x102: {  	s1 =	rddreg [dreg:$0x1];
	p0 =	sne.s32 s2, $0x0  }
0x103: {  	s3 =	rddreg [dreg:$0x2];
	[bflag:$0x3] =	sbarrier.arrive $0xFFFF;
	s2 =	simm.s32 @!p0 $0x1C03  }
0x104: {  	[timem:s3], [sflag:s2] =	dma.local @!p0 [hbm:s0], s1  }
0x105: {  	s0 =	simm.s32 @!p0 $0x3  }
0x106: {  	_ =	swait.ge @!p0 [sflag:s0], s1  }
0x107: {  	s1 =	ssub.s32 @!p0 $0x0, s1;
	[sflag:s0] =	ssyncset.done @!p0 $0x0  }
0x108: {  	[sflag:s0] =	ssyncadd.s32 @!p0 s1  }
0x109: {  	[bflag:$0x3] =	sbarrier.arrive $0xFFFF  }
0x10a: {  	_ =	shalt  }

</sc_bundles>
